<compile_context>
chip_gen: v7x
topology: tpu7x:2x2x1
jax: 0.10.2.dev20260603
libtpu: 0.0.44.dev20260713+nightly
codegen_flags: <defaults>
</compile_context>

<pallas_src>
import functools

import jax
import jax.numpy as jnp
from jax import lax
from jax.experimental import pallas as pl
from jax.experimental.pallas import tpu as pltpu
from jax.experimental.pallas import tpu_sc as plsc

V = 1_000_000
D = 32
B = 16384
NC = 2
NS = 16
NW = NC * NS
CH = 4
CK = B // (NW * CH)
PH = 2 * CH
PK = CK


def _glove_gather(wpair2d, cpair2d, words2d, ctx2d, w_emb, w_bias, c_emb,
                  c_bias):
  mesh = plsc.VectorSubcoreMesh(core_axis_name="c", subcore_axis_name="s")

  @functools.partial(
      pl.kernel,
      mesh=mesh,
      compiler_params=pltpu.CompilerParams(use_tc_tiling_on_sc=False),
      out_type=(
          jax.ShapeDtypeStruct((NW * PH, PK, 16), jnp.float32),
          jax.ShapeDtypeStruct((NW * CH, CK), jnp.float32),
          jax.ShapeDtypeStruct((NW * PH, PK, 16), jnp.float32),
          jax.ShapeDtypeStruct((NW * CH, CK), jnp.float32),
      ),
      scratch_types=[
          pltpu.VMEM((PH, PK), jnp.int32),
          pltpu.VMEM((PH, PK), jnp.int32),
          pltpu.VMEM((CH, CK), jnp.int32),
          pltpu.VMEM((CH, CK), jnp.int32),
          pltpu.VMEM((PH, PK, 16), jnp.float32),
          pltpu.VMEM((CH, CK), jnp.float32),
          pltpu.VMEM((PH, PK, 16), jnp.float32),
          pltpu.VMEM((CH, CK), jnp.float32),
          pltpu.SemaphoreType.DMA,
          pltpu.SemaphoreType.DMA,
      ],
  )
  def k(wpair_h, cpair_h, words_h, ctx_h, we_h, wb_h, ce_h, cb_h,
        owe_h, owb_h, oce_h, ocb_h,
        wpair_v, cpair_v, widx_v, cidx_v, we_v, wb_v, ce_v, cb_v,
        gsem, osem):
    wid = lax.axis_index("s") * NC + lax.axis_index("c")
    prow0 = wid * PH
    row0 = wid * CH
    pltpu.sync_copy(wpair_h.at[pl.ds(prow0, PH)], wpair_v)
    pltpu.sync_copy(cpair_h.at[pl.ds(prow0, PH)], cpair_v)
    pltpu.sync_copy(words_h.at[pl.ds(row0, CH)], widx_v)
    pltpu.sync_copy(ctx_h.at[pl.ds(row0, CH)], cidx_v)
    gathers = []
    for j in range(PH):
      gathers.append(
          pltpu.async_copy(we_h.at[wpair_v.at[j]], we_v.at[j], gsem))
      gathers.append(
          pltpu.async_copy(ce_h.at[cpair_v.at[j]], ce_v.at[j], gsem))
    for j in range(CH):
      gathers.append(
          pltpu.async_copy(wb_h.at[widx_v.at[j]], wb_v.at[j], gsem))
      gathers.append(
          pltpu.async_copy(cb_h.at[cidx_v.at[j]], cb_v.at[j], gsem))
    for g in gathers:
      g.wait()
    outs = [
        pltpu.async_copy(we_v, owe_h.at[pl.ds(prow0, PH)], osem),
        pltpu.async_copy(ce_v, oce_h.at[pl.ds(prow0, PH)], osem),
        pltpu.async_copy(wb_v, owb_h.at[pl.ds(row0, CH)], osem),
        pltpu.async_copy(cb_v, ocb_h.at[pl.ds(row0, CH)], osem),
    ]
    for o in outs:
      o.wait()

  return k(wpair2d, cpair2d, words2d, ctx2d, w_emb, w_bias, c_emb, c_bias)


def _pair_idx(idx):
  return (idx[:, None] * 2 + jnp.arange(2, dtype=jnp.int32)).reshape(
      NW * PH, PK)


def kernel(words, contexts, w_embeddings, w_biases, c_embeddings, c_biases):
  words = words.astype(jnp.int32)
  contexts = contexts.astype(jnp.int32)
  owe, owb, oce, ocb = _glove_gather(
      _pair_idx(words), _pair_idx(contexts),
      words.reshape(NW * CH, CK), contexts.reshape(NW * CH, CK),
      w_embeddings.reshape(2 * V, 16), w_biases.reshape(V),
      c_embeddings.reshape(2 * V, 16), c_biases.reshape(V))
  return (owe.reshape(B, D), owb.reshape(B, 1),
          oce.reshape(B, D), ocb.reshape(B, 1))

# --- scband reference (transcript-rebuilt; emitter-appended) ---
"""Pipeline reference for scband-glove-model-12730283065463 (READ-ONLY COPY).

The authoritative reference and input builder live on the scoring server;
editing this copy changes nothing except your own understanding.
"""

import jax, jax.numpy as jnp
import numpy as np

V = 1000000
D = 32
B = 16384

def setup_inputs(seed: int = 0) -> dict:
    key = jax.random.key(seed)
    k1, k2, k3, k4, k5, k6 = jax.random.split(key, 6)
    words = jax.random.randint(k1, (B,), 0, V)
    contexts = jax.random.randint(k2, (B,), 0, V)
    w_embeddings = jax.random.normal(k3, (V, D), dtype=jnp.float32) * 0.02
    w_biases = jax.random.normal(k4, (V, 1), dtype=jnp.float32) * 0.02
    c_embeddings = jax.random.normal(k5, (V, D), dtype=jnp.float32) * 0.02
    c_biases = jax.random.normal(k6, (V, 1), dtype=jnp.float32) * 0.02
    return {
        "words": words,
        "contexts": contexts,
        "w_embeddings": w_embeddings,
        "w_biases": w_biases,
        "c_embeddings": c_embeddings,
        "c_biases": c_biases,
    }

def reference(words, contexts, w_embeddings, w_biases, c_embeddings, c_biases):
    # forward_w
    w_embeds = jnp.take(w_embeddings, words, axis=0)
    w_b = jnp.take(w_biases, words, axis=0)
    # forward_c
    c_embeds = jnp.take(c_embeddings, contexts, axis=0)
    c_b = jnp.take(c_biases, contexts, axis=0)
    return (w_embeds, w_b, c_embeds, c_b)

if __name__ == "__main__":
    import jax
    _d = setup_inputs()
    print(jax.jit(kernel)(*tuple(_d.values())))

</pallas_src>

<mosaic_0001>
#map = affine_map<(d0, d1) -> (0, 0)>
#map1 = affine_map<(d0, d1) -> (0)>
#map2 = affine_map<(d0, d1) -> (0, 0, 0)>
module attributes {stable_mosaic.version = 14 : i64} {
  func.func @k(%arg0: i32, %arg1: i32, %arg2: memref<256x128xi32, #tpu.memory_space<hbm>>, %arg3: memref<256x128xi32, #tpu.memory_space<hbm>>, %arg4: memref<128x128xi32, #tpu.memory_space<hbm>>, %arg5: memref<128x128xi32, #tpu.memory_space<hbm>>, %arg6: memref<2000000x16xf32, #tpu.memory_space<hbm>>, %arg7: memref<1000000xf32, #tpu.memory_space<hbm>>, %arg8: memref<2000000x16xf32, #tpu.memory_space<hbm>>, %arg9: memref<1000000xf32, #tpu.memory_space<hbm>>, %arg10: memref<256x128x16xf32, #tpu.memory_space<hbm>>, %arg11: memref<128x128xf32, #tpu.memory_space<hbm>>, %arg12: memref<256x128x16xf32, #tpu.memory_space<hbm>>, %arg13: memref<128x128xf32, #tpu.memory_space<hbm>>, %arg14: memref<8x128xi32, #tpu.memory_space<vmem>>, %arg15: memref<8x128xi32, #tpu.memory_space<vmem>>, %arg16: memref<4x128xi32, #tpu.memory_space<vmem>>, %arg17: memref<4x128xi32, #tpu.memory_space<vmem>>, %arg18: memref<8x128x16xf32, #tpu.memory_space<vmem>>, %arg19: memref<4x128xf32, #tpu.memory_space<vmem>>, %arg20: memref<8x128x16xf32, #tpu.memory_space<vmem>>, %arg21: memref<4x128xf32, #tpu.memory_space<vmem>>, %arg22: memref<!tpu.dma_semaphore, #tpu.memory_space<semaphore_mem>>, %arg23: memref<!tpu.dma_semaphore, #tpu.memory_space<semaphore_mem>>) attributes {dimension_semantics = [#tpu.dimension_semantics<core_parallel>, #tpu.dimension_semantics<subcore_parallel>], iteration_bounds = array<i64: 2, 16>, scalar_prefetch = 0 : i64, scratch_operands = 10 : i64, tpu.core_type = #tpu.core_type<sc_vector_subcore>, window_params = [{transform_indices = #map}, {transform_indices = #map}, {transform_indices = #map}, {transform_indices = #map}, {transform_indices = #map}, {transform_indices = #map1}, {transform_indices = #map}, {transform_indices = #map1}, {transform_indices = #map2}, {transform_indices = #map}, {transform_indices = #map2}, {transform_indices = #map}]} {
    %mul3A = arith.constant 2 : i32
    %mul3A_0 = arith.muli %arg1, %mul3A : i32
    %add3A = arith.addi %mul3A_0, %arg0 : i32
    %mul3A_1 = arith.constant 8 : i32
    %mul3A_2 = arith.muli %add3A, %mul3A_1 : i32
    %mul3A_3 = arith.constant 4 : i32
    %mul3A_4 = arith.muli %add3A, %mul3A_3 : i32
    "tpu.region"() ({
      %run_scoped3A = tpu.sem_alloc : memref<!tpu.dma_semaphore, #tpu.memory_space<semaphore_mem>>
      %dma_start3A_587 = arith.constant 0 : i32
      %dma_start3A_588 = tpu.memref_slice %arg2[%mul3A_2, %dma_start3A_587] : memref<256x128xi32, #tpu.memory_space<hbm>> -> memref<8x128xi32, #tpu.memory_space<hbm>>
      %dma_start3A_589 = arith.constant 0 : i32
      %dma_start3A_590 = tpu.memref_slice %arg2[%mul3A_2, %dma_start3A_589] : memref<256x128xi32, #tpu.memory_space<hbm>> -> memref<8x128xi32, #tpu.memory_space<hbm>>
      tpu.enqueue_dma source(%dma_start3A_590 : memref<8x128xi32, #tpu.memory_space<hbm>>) target(%arg14 : memref<8x128xi32, #tpu.memory_space<vmem>>) target_semaphore(%run_scoped3A : memref<!tpu.dma_semaphore, #tpu.memory_space<semaphore_mem>>)
      %dma_wait3A_591 = arith.constant 0 : i32
      %dma_wait3A_592 = tpu.memref_slice %arg2[%mul3A_2, %dma_wait3A_591] : memref<256x128xi32, #tpu.memory_space<hbm>> -> memref<8x128xi32, #tpu.memory_space<hbm>>
      %dma_wait3A_593 = arith.constant 0 : i32
      %dma_wait3A_594 = tpu.memref_slice %arg2[%mul3A_2, %dma_wait3A_593] : memref<256x128xi32, #tpu.memory_space<hbm>> -> memref<8x128xi32, #tpu.memory_space<hbm>>
      tpu.wait_dma2 semaphore(%run_scoped3A : memref<!tpu.dma_semaphore, #tpu.memory_space<semaphore_mem>>) src(%dma_wait3A_594 : memref<8x128xi32, #tpu.memory_space<hbm>>) dst(%arg14 : memref<8x128xi32, #tpu.memory_space<vmem>>)
      tpu.yield
    }) : () -> ()
    "tpu.region"() ({
      %run_scoped3A = tpu.sem_alloc : memref<!tpu.dma_semaphore, #tpu.memory_space<semaphore_mem>>
      %dma_start3A_587 = arith.constant 0 : i32
      %dma_start3A_588 = tpu.memref_slice %arg3[%mul3A_2, %dma_start3A_587] : memref<256x128xi32, #tpu.memory_space<hbm>> -> memref<8x128xi32, #tpu.memory_space<hbm>>
      %dma_start3A_589 = arith.constant 0 : i32
      %dma_start3A_590 = tpu.memref_slice %arg3[%mul3A_2, %dma_start3A_589] : memref<256x128xi32, #tpu.memory_space<hbm>> -> memref<8x128xi32, #tpu.memory_space<hbm>>
      tpu.enqueue_dma source(%dma_start3A_590 : memref<8x128xi32, #tpu.memory_space<hbm>>) target(%arg15 : memref<8x128xi32, #tpu.memory_space<vmem>>) target_semaphore(%run_scoped3A : memref<!tpu.dma_semaphore, #tpu.memory_space<semaphore_mem>>)
      %dma_wait3A_591 = arith.constant 0 : i32
      %dma_wait3A_592 = tpu.memref_slice %arg3[%mul3A_2, %dma_wait3A_591] : memref<256x128xi32, #tpu.memory_space<hbm>> -> memref<8x128xi32, #tpu.memory_space<hbm>>
      %dma_wait3A_593 = arith.constant 0 : i32
      %dma_wait3A_594 = tpu.memref_slice %arg3[%mul3A_2, %dma_wait3A_593] : memref<256x128xi32, #tpu.memory_space<hbm>> -> memref<8x128xi32, #tpu.memory_space<hbm>>
      tpu.wait_dma2 semaphore(%run_scoped3A : memref<!tpu.dma_semaphore, #tpu.memory_space<semaphore_mem>>) src(%dma_wait3A_594 : memref<8x128xi32, #tpu.memory_space<hbm>>) dst(%arg15 : memref<8x128xi32, #tpu.memory_space<vmem>>)
      tpu.yield
    }) : () -> ()
    "tpu.region"() ({
      %run_scoped3A = tpu.sem_alloc : memref<!tpu.dma_semaphore, #tpu.memory_space<semaphore_mem>>
      %dma_start3A_587 = arith.constant 0 : i32
      %dma_start3A_588 = tpu.memref_slice %arg4[%mul3A_4, %dma_start3A_587] : memref<128x128xi32, #tpu.memory_space<hbm>> -> memref<4x128xi32, #tpu.memory_space<hbm>>
      %dma_start3A_589 = arith.constant 0 : i32
      %dma_start3A_590 = tpu.memref_slice %arg4[%mul3A_4, %dma_start3A_589] : memref<128x128xi32, #tpu.memory_space<hbm>> -> memref<4x128xi32, #tpu.memory_space<hbm>>
      tpu.enqueue_dma source(%dma_start3A_590 : memref<4x128xi32, #tpu.memory_space<hbm>>) target(%arg16 : memref<4x128xi32, #tpu.memory_space<vmem>>) target_semaphore(%run_scoped3A : memref<!tpu.dma_semaphore, #tpu.memory_space<semaphore_mem>>)
      %dma_wait3A_591 = arith.constant 0 : i32
      %dma_wait3A_592 = tpu.memref_slice %arg4[%mul3A_4, %dma_wait3A_591] : memref<128x128xi32, #tpu.memory_space<hbm>> -> memref<4x128xi32, #tpu.memory_space<hbm>>
      %dma_wait3A_593 = arith.constant 0 : i32
      %dma_wait3A_594 = tpu.memref_slice %arg4[%mul3A_4, %dma_wait3A_593] : memref<128x128xi32, #tpu.memory_space<hbm>> -> memref<4x128xi32, #tpu.memory_space<hbm>>
      tpu.wait_dma2 semaphore(%run_scoped3A : memref<!tpu.dma_semaphore, #tpu.memory_space<semaphore_mem>>) src(%dma_wait3A_594 : memref<4x128xi32, #tpu.memory_space<hbm>>) dst(%arg16 : memref<4x128xi32, #tpu.memory_space<vmem>>)
      tpu.yield
    }) : () -> ()
    "tpu.region"() ({
      %run_scoped3A = tpu.sem_alloc : memref<!tpu.dma_semaphore, #tpu.memory_space<semaphore_mem>>
      %dma_start3A_587 = arith.constant 0 : i32
      %dma_start3A_588 = tpu.memref_slice %arg5[%mul3A_4, %dma_start3A_587] : memref<128x128xi32, #tpu.memory_space<hbm>> -> memref<4x128xi32, #tpu.memory_space<hbm>>
      %dma_start3A_589 = arith.constant 0 : i32
      %dma_start3A_590 = tpu.memref_slice %arg5[%mul3A_4, %dma_start3A_589] : memref<128x128xi32, #tpu.memory_space<hbm>> -> memref<4x128xi32, #tpu.memory_space<hbm>>
      tpu.enqueue_dma source(%dma_start3A_590 : memref<4x128xi32, #tpu.memory_space<hbm>>) target(%arg17 : memref<4x128xi32, #tpu.memory_space<vmem>>) target_semaphore(%run_scoped3A : memref<!tpu.dma_semaphore, #tpu.memory_space<semaphore_mem>>)
      %dma_wait3A_591 = arith.constant 0 : i32
      %dma_wait3A_592 = tpu.memref_slice %arg5[%mul3A_4, %dma_wait3A_591] : memref<128x128xi32, #tpu.memory_space<hbm>> -> memref<4x128xi32, #tpu.memory_space<hbm>>
      %dma_wait3A_593 = arith.constant 0 : i32
      %dma_wait3A_594 = tpu.memref_slice %arg5[%mul3A_4, %dma_wait3A_593] : memref<128x128xi32, #tpu.memory_space<hbm>> -> memref<4x128xi32, #tpu.memory_space<hbm>>
      tpu.wait_dma2 semaphore(%run_scoped3A : memref<!tpu.dma_semaphore, #tpu.memory_space<semaphore_mem>>) src(%dma_wait3A_594 : memref<4x128xi32, #tpu.memory_space<hbm>>) dst(%arg17 : memref<4x128xi32, #tpu.memory_space<vmem>>)
      tpu.yield
    }) : () -> ()
    %dma_start3A = arith.constant 0 : i32
    %dma_start3A_5 = arith.constant 0 : i32
    %dma_start3A_6 = arith.constant 0 : i32
    %dma_start3A_7 = arith.constant 0 : i32
    %dma_start3A_8 = tpu.memref_slice %arg18[%dma_start3A_5, %dma_start3A_6, %dma_start3A_7] : memref<8x128x16xf32, #tpu.memory_space<vmem>> -> memref<1x128x16xf32, #tpu.memory_space<vmem>>
    %dma_start3A_9 = tpu.memref_squeeze %dma_start3A_8 : memref<1x128x16xf32, #tpu.memory_space<vmem>> -> memref<128x16xf32, #tpu.memory_space<vmem>>
    %dma_start3A_10 = arith.constant 0 : i32
    %dma_start3A_11 = tpu.memref_slice %arg14[%dma_start3A, %dma_start3A_10] : memref<8x128xi32, #tpu.memory_space<vmem>> -> memref<1x128xi32, #tpu.memory_space<vmem>>
    %dma_start3A_12 = tpu.memref_squeeze %dma_start3A_11 : memref<1x128xi32, #tpu.memory_space<vmem>> -> memref<128xi32, #tpu.memory_space<vmem>>
    %dma_start3A_13 = arith.constant 0 : i32
    %dma_start3A_14 = arith.constant 0 : i32
    %dma_start3A_15 = tpu.memref_slice %arg6[%dma_start3A_13, %dma_start3A_14] : memref<2000000x16xf32, #tpu.memory_space<hbm>> -> memref<2000000x16xf32, #tpu.memory_space<hbm>>
    tpu.enqueue_indirect_dma source(%dma_start3A_15 : memref<2000000x16xf32, #tpu.memory_space<hbm>>) target(%dma_start3A_9 : memref<128x16xf32, #tpu.memory_space<vmem>>) offsets(%dma_start3A_12 : memref<128xi32, #tpu.memory_space<vmem>>) semaphore(%arg22 : memref<!tpu.dma_semaphore, #tpu.memory_space<semaphore_mem>>)
    %dma_start3A_16 = arith.constant 0 : i32
    %dma_start3A_17 = arith.constant 0 : i32
    %dma_start3A_18 = arith.constant 0 : i32
    %dma_start3A_19 = arith.constant 0 : i32
    %dma_start3A_20 = tpu.memref_slice %arg20[%dma_start3A_17, %dma_start3A_18, %dma_start3A_19] : memref<8x128x16xf32, #tpu.memory_space<vmem>> -> memref<1x128x16xf32, #tpu.memory_space<vmem>>
    %dma_start3A_21 = tpu.memref_squeeze %dma_start3A_20 : memref<1x128x16xf32, #tpu.memory_space<vmem>> -> memref<128x16xf32, #tpu.memory_space<vmem>>
    %dma_start3A_22 = arith.constant 0 : i32
    %dma_start3A_23 = tpu.memref_slice %arg15[%dma_start3A_16, %dma_start3A_22] : memref<8x128xi32, #tpu.memory_space<vmem>> -> memref<1x128xi32, #tpu.memory_space<vmem>>
    %dma_start3A_24 = tpu.memref_squeeze %dma_start3A_23 : memref<1x128xi32, #tpu.memory_space<vmem>> -> memref<128xi32, #tpu.memory_space<vmem>>
    %dma_start3A_25 = arith.constant 0 : i32
    %dma_start3A_26 = arith.constant 0 : i32
    %dma_start3A_27 = tpu.memref_slice %arg8[%dma_start3A_25, %dma_start3A_26] : memref<2000000x16xf32, #tpu.memory_space<hbm>> -> memref<2000000x16xf32, #tpu.memory_space<hbm>>
    tpu.enqueue_indirect_dma source(%dma_start3A_27 : memref<2000000x16xf32, #tpu.memory_space<hbm>>) target(%dma_start3A_21 : memref<128x16xf32, #tpu.memory_space<vmem>>) offsets(%dma_start3A_24 : memref<128xi32, #tpu.memory_space<vmem>>) semaphore(%arg22 : memref<!tpu.dma_semaphore, #tpu.memory_space<semaphore_mem>>)
    %dma_start3A_28 = arith.constant 1 : i32
    %dma_start3A_29 = arith.constant 1 : i32
    %dma_start3A_30 = arith.constant 0 : i32
    %dma_start3A_31 = arith.constant 0 : i32
    %dma_start3A_32 = tpu.memref_slice %arg18[%dma_start3A_29, %dma_start3A_30, %dma_start3A_31] : memref<8x128x16xf32, #tpu.memory_space<vmem>> -> memref<1x128x16xf32, #tpu.memory_space<vmem>>
    %dma_start3A_33 = tpu.memref_squeeze %dma_start3A_32 : memref<1x128x16xf32, #tpu.memory_space<vmem>> -> memref<128x16xf32, #tpu.memory_space<vmem>>
    %dma_start3A_34 = arith.constant 0 : i32
    %dma_start3A_35 = tpu.memref_slice %arg14[%dma_start3A_28, %dma_start3A_34] : memref<8x128xi32, #tpu.memory_space<vmem>> -> memref<1x128xi32, #tpu.memory_space<vmem>>
    %dma_start3A_36 = tpu.memref_squeeze %dma_start3A_35 : memref<1x128xi32, #tpu.memory_space<vmem>> -> memref<128xi32, #tpu.memory_space<vmem>>
    %dma_start3A_37 = arith.constant 0 : i32
    %dma_start3A_38 = arith.constant 0 : i32
    %dma_start3A_39 = tpu.memref_slice %arg6[%dma_start3A_37, %dma_start3A_38] : memref<2000000x16xf32, #tpu.memory_space<hbm>> -> memref<2000000x16xf32, #tpu.memory_space<hbm>>
    tpu.enqueue_indirect_dma source(%dma_start3A_39 : memref<2000000x16xf32, #tpu.memory_space<hbm>>) target(%dma_start3A_33 : memref<128x16xf32, #tpu.memory_space<vmem>>) offsets(%dma_start3A_36 : memref<128xi32, #tpu.memory_space<vmem>>) semaphore(%arg22 : memref<!tpu.dma_semaphore, #tpu.memory_space<semaphore_mem>>)
    %dma_start3A_40 = arith.constant 1 : i32
    %dma_start3A_41 = arith.constant 1 : i32
    %dma_start3A_42 = arith.constant 0 : i32
    %dma_start3A_43 = arith.constant 0 : i32
    %dma_start3A_44 = tpu.memref_slice %arg20[%dma_start3A_41, %dma_start3A_42, %dma_start3A_43] : memref<8x128x16xf32, #tpu.memory_space<vmem>> -> memref<1x128x16xf32, #tpu.memory_space<vmem>>
    %dma_start3A_45 = tpu.memref_squeeze %dma_start3A_44 : memref<1x128x16xf32, #tpu.memory_space<vmem>> -> memref<128x16xf32, #tpu.memory_space<vmem>>
    %dma_start3A_46 = arith.constant 0 : i32
    %dma_start3A_47 = tpu.memref_slice %arg15[%dma_start3A_40, %dma_start3A_46] : memref<8x128xi32, #tpu.memory_space<vmem>> -> memref<1x128xi32, #tpu.memory_space<vmem>>
    %dma_start3A_48 = tpu.memref_squeeze %dma_start3A_47 : memref<1x128xi32, #tpu.memory_space<vmem>> -> memref<128xi32, #tpu.memory_space<vmem>>
    %dma_start3A_49 = arith.constant 0 : i32
    %dma_start3A_50 = arith.constant 0 : i32
    %dma_start3A_51 = tpu.memref_slice %arg8[%dma_start3A_49, %dma_start3A_50] : memref<2000000x16xf32, #tpu.memory_space<hbm>> -> memref<2000000x16xf32, #tpu.memory_space<hbm>>
    tpu.enqueue_indirect_dma source(%dma_start3A_51 : memref<2000000x16xf32, #tpu.memory_space<hbm>>) target(%dma_start3A_45 : memref<128x16xf32, #tpu.memory_space<vmem>>) offsets(%dma_start3A_48 : memref<128xi32, #tpu.memory_space<vmem>>) semaphore(%arg22 : memref<!tpu.dma_semaphore, #tpu.memory_space<semaphore_mem>>)
    %dma_start3A_52 = arith.constant 2 : i32
    %dma_start3A_53 = arith.constant 2 : i32
    %dma_start3A_54 = arith.constant 0 : i32
    %dma_start3A_55 = arith.constant 0 : i32
    %dma_start3A_56 = tpu.memref_slice %arg18[%dma_start3A_53, %dma_start3A_54, %dma_start3A_55] : memref<8x128x16xf32, #tpu.memory_space<vmem>> -> memref<1x128x16xf32, #tpu.memory_space<vmem>>
    %dma_start3A_57 = tpu.memref_squeeze %dma_start3A_56 : memref<1x128x16xf32, #tpu.memory_space<vmem>> -> memref<128x16xf32, #tpu.memory_space<vmem>>
    %dma_start3A_58 = arith.constant 0 : i32
    %dma_start3A_59 = tpu.memref_slice %arg14[%dma_start3A_52, %dma_start3A_58] : memref<8x128xi32, #tpu.memory_space<vmem>> -> memref<1x128xi32, #tpu.memory_space<vmem>>
    %dma_start3A_60 = tpu.memref_squeeze %dma_start3A_59 : memref<1x128xi32, #tpu.memory_space<vmem>> -> memref<128xi32, #tpu.memory_space<vmem>>
    %dma_start3A_61 = arith.constant 0 : i32
    %dma_start3A_62 = arith.constant 0 : i32
    %dma_start3A_63 = tpu.memref_slice %arg6[%dma_start3A_61, %dma_start3A_62] : memref<2000000x16xf32, #tpu.memory_space<hbm>> -> memref<2000000x16xf32, #tpu.memory_space<hbm>>
    tpu.enqueue_indirect_dma source(%dma_start3A_63 : memref<2000000x16xf32, #tpu.memory_space<hbm>>) target(%dma_start3A_57 : memref<128x16xf32, #tpu.memory_space<vmem>>) offsets(%dma_start3A_60 : memref<128xi32, #tpu.memory_space<vmem>>) semaphore(%arg22 : memref<!tpu.dma_semaphore, #tpu.memory_space<semaphore_mem>>)
    %dma_start3A_64 = arith.constant 2 : i32
    %dma_start3A_65 = arith.constant 2 : i32
    %dma_start3A_66 = arith.constant 0 : i32
    %dma_start3A_67 = arith.constant 0 : i32
    %dma_start3A_68 = tpu.memref_slice %arg20[%dma_start3A_65, %dma_start3A_66, %dma_start3A_67] : memref<8x128x16xf32, #tpu.memory_space<vmem>> -> memref<1x128x16xf32, #tpu.memory_space<vmem>>
    %dma_start3A_69 = tpu.memref_squeeze %dma_start3A_68 : memref<1x128x16xf32, #tpu.memory_space<vmem>> -> memref<128x16xf32, #tpu.memory_space<vmem>>
    %dma_start3A_70 = arith.constant 0 : i32
    %dma_start3A_71 = tpu.memref_slice %arg15[%dma_start3A_64, %dma_start3A_70] : memref<8x128xi32, #tpu.memory_space<vmem>> -> memref<1x128xi32, #tpu.memory_space<vmem>>
    %dma_start3A_72 = tpu.memref_squeeze %dma_start3A_71 : memref<1x128xi32, #tpu.memory_space<vmem>> -> memref<128xi32, #tpu.memory_space<vmem>>
    %dma_start3A_73 = arith.constant 0 : i32
    %dma_start3A_74 = arith.constant 0 : i32
    %dma_start3A_75 = tpu.memref_slice %arg8[%dma_start3A_73, %dma_start3A_74] : memref<2000000x16xf32, #tpu.memory_space<hbm>> -> memref<2000000x16xf32, #tpu.memory_space<hbm>>
    tpu.enqueue_indirect_dma source(%dma_start3A_75 : memref<2000000x16xf32, #tpu.memory_space<hbm>>) target(%dma_start3A_69 : memref<128x16xf32, #tpu.memory_space<vmem>>) offsets(%dma_start3A_72 : memref<128xi32, #tpu.memory_space<vmem>>) semaphore(%arg22 : memref<!tpu.dma_semaphore, #tpu.memory_space<semaphore_mem>>)
    %dma_start3A_76 = arith.constant 3 : i32
    %dma_start3A_77 = arith.constant 3 : i32
    %dma_start3A_78 = arith.constant 0 : i32
    %dma_start3A_79 = arith.constant 0 : i32
    %dma_start3A_80 = tpu.memref_slice %arg18[%dma_start3A_77, %dma_start3A_78, %dma_start3A_79] : memref<8x128x16xf32, #tpu.memory_space<vmem>> -> memref<1x128x16xf32, #tpu.memory_space<vmem>>
    %dma_start3A_81 = tpu.memref_squeeze %dma_start3A_80 : memref<1x128x16xf32, #tpu.memory_space<vmem>> -> memref<128x16xf32, #tpu.memory_space<vmem>>
    %dma_start3A_82 = arith.constant 0 : i32
    %dma_start3A_83 = tpu.memref_slice %arg14[%dma_start3A_76, %dma_start3A_82] : memref<8x128xi32, #tpu.memory_space<vmem>> -> memref<1x128xi32, #tpu.memory_space<vmem>>
    %dma_start3A_84 = tpu.memref_squeeze %dma_start3A_83 : memref<1x128xi32, #tpu.memory_space<vmem>> -> memref<128xi32, #tpu.memory_space<vmem>>
    %dma_start3A_85 = arith.constant 0 : i32
    %dma_start3A_86 = arith.constant 0 : i32
    %dma_start3A_87 = tpu.memref_slice %arg6[%dma_start3A_85, %dma_start3A_86] : memref<2000000x16xf32, #tpu.memory_space<hbm>> -> memref<2000000x16xf32, #tpu.memory_space<hbm>>
    tpu.enqueue_indirect_dma source(%dma_start3A_87 : memref<2000000x16xf32, #tpu.memory_space<hbm>>) target(%dma_start3A_81 : memref<128x16xf32, #tpu.memory_space<vmem>>) offsets(%dma_start3A_84 : memref<128xi32, #tpu.memory_space<vmem>>) semaphore(%arg22 : memref<!tpu.dma_semaphore, #tpu.memory_space<semaphore_mem>>)
    %dma_start3A_88 = arith.constant 3 : i32
    %dma_start3A_89 = arith.constant 3 : i32
    %dma_start3A_90 = arith.constant 0 : i32
    %dma_start3A_91 = arith.constant 0 : i32
    %dma_start3A_92 = tpu.memref_slice %arg20[%dma_start3A_89, %dma_start3A_90, %dma_start3A_91] : memref<8x128x16xf32, #tpu.memory_space<vmem>> -> memref<1x128x16xf32, #tpu.memory_space<vmem>>
    %dma_start3A_93 = tpu.memref_squeeze %dma_start3A_92 : memref<1x128x16xf32, #tpu.memory_space<vmem>> -> memref<128x16xf32, #tpu.memory_space<vmem>>
    %dma_start3A_94 = arith.constant 0 : i32
    %dma_start3A_95 = tpu.memref_slice %arg15[%dma_start3A_88, %dma_start3A_94] : memref<8x128xi32, #tpu.memory_space<vmem>> -> memref<1x128xi32, #tpu.memory_space<vmem>>
    %dma_start3A_96 = tpu.memref_squeeze %dma_start3A_95 : memref<1x128xi32, #tpu.memory_space<vmem>> -> memref<128xi32, #tpu.memory_space<vmem>>
    %dma_start3A_97 = arith.constant 0 : i32
    %dma_start3A_98 = arith.constant 0 : i32
    %dma_start3A_99 = tpu.memref_slice %arg8[%dma_start3A_97, %dma_start3A_98] : memref<2000000x16xf32, #tpu.memory_space<hbm>> -> memref<2000000x16xf32, #tpu.memory_space<hbm>>
    tpu.enqueue_indirect_dma source(%dma_start3A_99 : memref<2000000x16xf32, #tpu.memory_space<hbm>>) target(%dma_start3A_93 : memref<128x16xf32, #tpu.memory_space<vmem>>) offsets(%dma_start3A_96 : memref<128xi32, #tpu.memory_space<vmem>>) semaphore(%arg22 : memref<!tpu.dma_semaphore, #tpu.memory_space<semaphore_mem>>)
    %dma_start3A_100 = arith.constant 4 : i32
    %dma_start3A_101 = arith.constant 4 : i32
    %dma_start3A_102 = arith.constant 0 : i32
    %dma_start3A_103 = arith.constant 0 : i32
    %dma_start3A_104 = tpu.memref_slice %arg18[%dma_start3A_101, %dma_start3A_102, %dma_start3A_103] : memref<8x128x16xf32, #tpu.memory_space<vmem>> -> memref<1x128x16xf32, #tpu.memory_space<vmem>>
    %dma_start3A_105 = tpu.memref_squeeze %dma_start3A_104 : memref<1x128x16xf32, #tpu.memory_space<vmem>> -> memref<128x16xf32, #tpu.memory_space<vmem>>
    %dma_start3A_106 = arith.constant 0 : i32
    %dma_start3A_107 = tpu.memref_slice %arg14[%dma_start3A_100, %dma_start3A_106] : memref<8x128xi32, #tpu.memory_space<vmem>> -> memref<1x128xi32, #tpu.memory_space<vmem>>
    %dma_start3A_108 = tpu.memref_squeeze %dma_start3A_107 : memref<1x128xi32, #tpu.memory_space<vmem>> -> memref<128xi32, #tpu.memory_space<vmem>>
    %dma_start3A_109 = arith.constant 0 : i32
    %dma_start3A_110 = arith.constant 0 : i32
    %dma_start3A_111 = tpu.memref_slice %arg6[%dma_start3A_109, %dma_start3A_110] : memref<2000000x16xf32, #tpu.memory_space<hbm>> -> memref<2000000x16xf32, #tpu.memory_space<hbm>>
    tpu.enqueue_indirect_dma source(%dma_start3A_111 : memref<2000000x16xf32, #tpu.memory_space<hbm>>) target(%dma_start3A_105 : memref<128x16xf32, #tpu.memory_space<vmem>>) offsets(%dma_start3A_108 : memref<128xi32, #tpu.memory_space<vmem>>) semaphore(%arg22 : memref<!tpu.dma_semaphore, #tpu.memory_space<semaphore_mem>>)
    %dma_start3A_112 = arith.constant 4 : i32
    %dma_start3A_113 = arith.constant 4 : i32
    %dma_start3A_114 = arith.constant 0 : i32
    %dma_start3A_115 = arith.constant 0 : i32
    %dma_start3A_116 = tpu.memref_slice %arg20[%dma_start3A_113, %dma_start3A_114, %dma_start3A_115] : memref<8x128x16xf32, #tpu.memory_space<vmem>> -> memref<1x128x16xf32, #tpu.memory_space<vmem>>
    %dma_start3A_117 = tpu.memref_squeeze %dma_start3A_116 : memref<1x128x16xf32, #tpu.memory_space<vmem>> -> memref<128x16xf32, #tpu.memory_space<vmem>>
    %dma_start3A_118 = arith.constant 0 : i32
    %dma_start3A_119 = tpu.memref_slice %arg15[%dma_start3A_112, %dma_start3A_118] : memref<8x128xi32, #tpu.memory_space<vmem>> -> memref<1x128xi32, #tpu.memory_space<vmem>>
    %dma_start3A_120 = tpu.memref_squeeze %dma_start3A_119 : memref<1x128xi32, #tpu.memory_space<vmem>> -> memref<128xi32, #tpu.memory_space<vmem>>
    %dma_start3A_121 = arith.constant 0 : i32
    %dma_start3A_122 = arith.constant 0 : i32
    %dma_start3A_123 = tpu.memref_slice %arg8[%dma_start3A_121, %dma_start3A_122] : memref<2000000x16xf32, #tpu.memory_space<hbm>> -> memref<2000000x16xf32, #tpu.memory_space<hbm>>
    tpu.enqueue_indirect_dma source(%dma_start3A_123 : memref<2000000x16xf32, #tpu.memory_space<hbm>>) target(%dma_start3A_117 : memref<128x16xf32, #tpu.memory_space<vmem>>) offsets(%dma_start3A_120 : memref<128xi32, #tpu.memory_space<vmem>>) semaphore(%arg22 : memref<!tpu.dma_semaphore, #tpu.memory_space<semaphore_mem>>)
    %dma_start3A_124 = arith.constant 5 : i32
    %dma_start3A_125 = arith.constant 5 : i32
    %dma_start3A_126 = arith.constant 0 : i32
    %dma_start3A_127 = arith.constant 0 : i32
    %dma_start3A_128 = tpu.memref_slice %arg18[%dma_start3A_125, %dma_start3A_126, %dma_start3A_127] : memref<8x128x16xf32, #tpu.memory_space<vmem>> -> memref<1x128x16xf32, #tpu.memory_space<vmem>>
    %dma_start3A_129 = tpu.memref_squeeze %dma_start3A_128 : memref<1x128x16xf32, #tpu.memory_space<vmem>> -> memref<128x16xf32, #tpu.memory_space<vmem>>
    %dma_start3A_130 = arith.constant 0 : i32
    %dma_start3A_131 = tpu.memref_slice %arg14[%dma_start3A_124, %dma_start3A_130] : memref<8x128xi32, #tpu.memory_space<vmem>> -> memref<1x128xi32, #tpu.memory_space<vmem>>
    %dma_start3A_132 = tpu.memref_squeeze %dma_start3A_131 : memref<1x128xi32, #tpu.memory_space<vmem>> -> memref<128xi32, #tpu.memory_space<vmem>>
    %dma_start3A_133 = arith.constant 0 : i32
    %dma_start3A_134 = arith.constant 0 : i32
    %dma_start3A_135 = tpu.memref_slice %arg6[%dma_start3A_133, %dma_start3A_134] : memref<2000000x16xf32, #tpu.memory_space<hbm>> -> memref<2000000x16xf32, #tpu.memory_space<hbm>>
    tpu.enqueue_indirect_dma source(%dma_start3A_135 : memref<2000000x16xf32, #tpu.memory_space<hbm>>) target(%dma_start3A_129 : memref<128x16xf32, #tpu.memory_space<vmem>>) offsets(%dma_start3A_132 : memref<128xi32, #tpu.memory_space<vmem>>) semaphore(%arg22 : memref<!tpu.dma_semaphore, #tpu.memory_space<semaphore_mem>>)
    %dma_start3A_136 = arith.constant 5 : i32
    %dma_start3A_137 = arith.constant 5 : i32
    %dma_start3A_138 = arith.constant 0 : i32
    %dma_start3A_139 = arith.constant 0 : i32
    %dma_start3A_140 = tpu.memref_slice %arg20[%dma_start3A_137, %dma_start3A_138, %dma_start3A_139] : memref<8x128x16xf32, #tpu.memory_space<vmem>> -> memref<1x128x16xf32, #tpu.memory_space<vmem>>
    %dma_start3A_141 = tpu.memref_squeeze %dma_start3A_140 : memref<1x128x16xf32, #tpu.memory_space<vmem>> -> memref<128x16xf32, #tpu.memory_space<vmem>>
    %dma_start3A_142 = arith.constant 0 : i32
    %dma_start3A_143 = tpu.memref_slice %arg15[%dma_start3A_136, %dma_start3A_142] : memref<8x128xi32, #tpu.memory_space<vmem>> -> memref<1x128xi32, #tpu.memory_space<vmem>>
    %dma_start3A_144 = tpu.memref_squeeze %dma_start3A_143 : memref<1x128xi32, #tpu.memory_space<vmem>> -> memref<128xi32, #tpu.memory_space<vmem>>
    %dma_start3A_145 = arith.constant 0 : i32
    %dma_start3A_146 = arith.constant 0 : i32
    %dma_start3A_147 = tpu.memref_slice %arg8[%dma_start3A_145, %dma_start3A_146] : memref<2000000x16xf32, #tpu.memory_space<hbm>> -> memref<2000000x16xf32, #tpu.memory_space<hbm>>
    tpu.enqueue_indirect_dma source(%dma_start3A_147 : memref<2000000x16xf32, #tpu.memory_space<hbm>>) target(%dma_start3A_141 : memref<128x16xf32, #tpu.memory_space<vmem>>) offsets(%dma_start3A_144 : memref<128xi32, #tpu.memory_space<vmem>>) semaphore(%arg22 : memref<!tpu.dma_semaphore, #tpu.memory_space<semaphore_mem>>)
    %dma_start3A_148 = arith.constant 6 : i32
    %dma_start3A_149 = arith.constant 6 : i32
    %dma_start3A_150 = arith.constant 0 : i32
    %dma_start3A_151 = arith.constant 0 : i32
    %dma_start3A_152 = tpu.memref_slice %arg18[%dma_start3A_149, %dma_start3A_150, %dma_start3A_151] : memref<8x128x16xf32, #tpu.memory_space<vmem>> -> memref<1x128x16xf32, #tpu.memory_space<vmem>>
    %dma_start3A_153 = tpu.memref_squeeze %dma_start3A_152 : memref<1x128x16xf32, #tpu.memory_space<vmem>> -> memref<128x16xf32, #tpu.memory_space<vmem>>
    %dma_start3A_154 = arith.constant 0 : i32
    %dma_start3A_155 = tpu.memref_slice %arg14[%dma_start3A_148, %dma_start3A_154] : memref<8x128xi32, #tpu.memory_space<vmem>> -> memref<1x128xi32, #tpu.memory_space<vmem>>
    %dma_start3A_156 = tpu.memref_squeeze %dma_start3A_155 : memref<1x128xi32, #tpu.memory_space<vmem>> -> memref<128xi32, #tpu.memory_space<vmem>>
    %dma_start3A_157 = arith.constant 0 : i32
    %dma_start3A_158 = arith.constant 0 : i32
    %dma_start3A_159 = tpu.memref_slice %arg6[%dma_start3A_157, %dma_start3A_158] : memref<2000000x16xf32, #tpu.memory_space<hbm>> -> memref<2000000x16xf32, #tpu.memory_space<hbm>>
    tpu.enqueue_indirect_dma source(%dma_start3A_159 : memref<2000000x16xf32, #tpu.memory_space<hbm>>) target(%dma_start3A_153 : memref<128x16xf32, #tpu.memory_space<vmem>>) offsets(%dma_start3A_156 : memref<128xi32, #tpu.memory_space<vmem>>) semaphore(%arg22 : memref<!tpu.dma_semaphore, #tpu.memory_space<semaphore_mem>>)
    %dma_start3A_160 = arith.constant 6 : i32
    %dma_start3A_161 = arith.constant 6 : i32
    %dma_start3A_162 = arith.constant 0 : i32
    %dma_start3A_163 = arith.constant 0 : i32
    %dma_start3A_164 = tpu.memref_slice %arg20[%dma_start3A_161, %dma_start3A_162, %dma_start3A_163] : memref<8x128x16xf32, #tpu.memory_space<vmem>> -> memref<1x128x16xf32, #tpu.memory_space<vmem>>
    %dma_start3A_165 = tpu.memref_squeeze %dma_start3A_164 : memref<1x128x16xf32, #tpu.memory_space<vmem>> -> memref<128x16xf32, #tpu.memory_space<vmem>>
    %dma_start3A_166 = arith.constant 0 : i32
    %dma_start3A_167 = tpu.memref_slice %arg15[%dma_start3A_160, %dma_start3A_166] : memref<8x128xi32, #tpu.memory_space<vmem>> -> memref<1x128xi32, #tpu.memory_space<vmem>>
    %dma_start3A_168 = tpu.memref_squeeze %dma_start3A_167 : memref<1x128xi32, #tpu.memory_space<vmem>> -> memref<128xi32, #tpu.memory_space<vmem>>
    %dma_start3A_169 = arith.constant 0 : i32
    %dma_start3A_170 = arith.constant 0 : i32
    %dma_start3A_171 = tpu.memref_slice %arg8[%dma_start3A_169, %dma_start3A_170] : memref<2000000x16xf32, #tpu.memory_space<hbm>> -> memref<2000000x16xf32, #tpu.memory_space<hbm>>
    tpu.enqueue_indirect_dma source(%dma_start3A_171 : memref<2000000x16xf32, #tpu.memory_space<hbm>>) target(%dma_start3A_165 : memref<128x16xf32, #tpu.memory_space<vmem>>) offsets(%dma_start3A_168 : memref<128xi32, #tpu.memory_space<vmem>>) semaphore(%arg22 : memref<!tpu.dma_semaphore, #tpu.memory_space<semaphore_mem>>)
    %dma_start3A_172 = arith.constant 7 : i32
    %dma_start3A_173 = arith.constant 7 : i32
    %dma_start3A_174 = arith.constant 0 : i32
    %dma_start3A_175 = arith.constant 0 : i32
    %dma_start3A_176 = tpu.memref_slice %arg18[%dma_start3A_173, %dma_start3A_174, %dma_start3A_175] : memref<8x128x16xf32, #tpu.memory_space<vmem>> -> memref<1x128x16xf32, #tpu.memory_space<vmem>>
    %dma_start3A_177 = tpu.memref_squeeze %dma_start3A_176 : memref<1x128x16xf32, #tpu.memory_space<vmem>> -> memref<128x16xf32, #tpu.memory_space<vmem>>
    %dma_start3A_178 = arith.constant 0 : i32
    %dma_start3A_179 = tpu.memref_slice %arg14[%dma_start3A_172, %dma_start3A_178] : memref<8x128xi32, #tpu.memory_space<vmem>> -> memref<1x128xi32, #tpu.memory_space<vmem>>
    %dma_start3A_180 = tpu.memref_squeeze %dma_start3A_179 : memref<1x128xi32, #tpu.memory_space<vmem>> -> memref<128xi32, #tpu.memory_space<vmem>>
    %dma_start3A_181 = arith.constant 0 : i32
    %dma_start3A_182 = arith.constant 0 : i32
    %dma_start3A_183 = tpu.memref_slice %arg6[%dma_start3A_181, %dma_start3A_182] : memref<2000000x16xf32, #tpu.memory_space<hbm>> -> memref<2000000x16xf32, #tpu.memory_space<hbm>>
    tpu.enqueue_indirect_dma source(%dma_start3A_183 : memref<2000000x16xf32, #tpu.memory_space<hbm>>) target(%dma_start3A_177 : memref<128x16xf32, #tpu.memory_space<vmem>>) offsets(%dma_start3A_180 : memref<128xi32, #tpu.memory_space<vmem>>) semaphore(%arg22 : memref<!tpu.dma_semaphore, #tpu.memory_space<semaphore_mem>>)
    %dma_start3A_184 = arith.constant 7 : i32
    %dma_start3A_185 = arith.constant 7 : i32
    %dma_start3A_186 = arith.constant 0 : i32
    %dma_start3A_187 = arith.constant 0 : i32
    %dma_start3A_188 = tpu.memref_slice %arg20[%dma_start3A_185, %dma_start3A_186, %dma_start3A_187] : memref<8x128x16xf32, #tpu.memory_space<vmem>> -> memref<1x128x16xf32, #tpu.memory_space<vmem>>
    %dma_start3A_189 = tpu.memref_squeeze %dma_start3A_188 : memref<1x128x16xf32, #tpu.memory_space<vmem>> -> memref<128x16xf32, #tpu.memory_space<vmem>>
    %dma_start3A_190 = arith.constant 0 : i32
    %dma_start3A_191 = tpu.memref_slice %arg15[%dma_start3A_184, %dma_start3A_190] : memref<8x128xi32, #tpu.memory_space<vmem>> -> memref<1x128xi32, #tpu.memory_space<vmem>>
    %dma_start3A_192 = tpu.memref_squeeze %dma_start3A_191 : memref<1x128xi32, #tpu.memory_space<vmem>> -> memref<128xi32, #tpu.memory_space<vmem>>
    %dma_start3A_193 = arith.constant 0 : i32
    %dma_start3A_194 = arith.constant 0 : i32
    %dma_start3A_195 = tpu.memref_slice %arg8[%dma_start3A_193, %dma_start3A_194] : memref<2000000x16xf32, #tpu.memory_space<hbm>> -> memref<2000000x16xf32, #tpu.memory_space<hbm>>
    tpu.enqueue_indirect_dma source(%dma_start3A_195 : memref<2000000x16xf32, #tpu.memory_space<hbm>>) target(%dma_start3A_189 : memref<128x16xf32, #tpu.memory_space<vmem>>) offsets(%dma_start3A_192 : memref<128xi32, #tpu.memory_space<vmem>>) semaphore(%arg22 : memref<!tpu.dma_semaphore, #tpu.memory_space<semaphore_mem>>)
    %dma_start3A_196 = arith.constant 0 : i32
    %dma_start3A_197 = arith.constant 0 : i32
    %dma_start3A_198 = arith.constant 0 : i32
    %dma_start3A_199 = tpu.memref_slice %arg19[%dma_start3A_197, %dma_start3A_198] : memref<4x128xf32, #tpu.memory_space<vmem>> -> memref<1x128xf32, #tpu.memory_space<vmem>>
    %dma_start3A_200 = tpu.memref_squeeze %dma_start3A_199 : memref<1x128xf32, #tpu.memory_space<vmem>> -> memref<128xf32, #tpu.memory_space<vmem>>
    %dma_start3A_201 = arith.constant 0 : i32
    %dma_start3A_202 = tpu.memref_slice %arg16[%dma_start3A_196, %dma_start3A_201] : memref<4x128xi32, #tpu.memory_space<vmem>> -> memref<1x128xi32, #tpu.memory_space<vmem>>
    %dma_start3A_203 = tpu.memref_squeeze %dma_start3A_202 : memref<1x128xi32, #tpu.memory_space<vmem>> -> memref<128xi32, #tpu.memory_space<vmem>>
    %dma_start3A_204 = arith.constant 0 : i32
    %dma_start3A_205 = tpu.memref_slice %arg7[%dma_start3A_204] : memref<1000000xf32, #tpu.memory_space<hbm>> -> memref<1000000xf32, #tpu.memory_space<hbm>>
    tpu.enqueue_indirect_dma source(%dma_start3A_205 : memref<1000000xf32, #tpu.memory_space<hbm>>) target(%dma_start3A_200 : memref<128xf32, #tpu.memory_space<vmem>>) offsets(%dma_start3A_203 : memref<128xi32, #tpu.memory_space<vmem>>) semaphore(%arg22 : memref<!tpu.dma_semaphore, #tpu.memory_space<semaphore_mem>>)
    %dma_start3A_206 = arith.constant 0 : i32
    %dma_start3A_207 = arith.constant 0 : i32
    %dma_start3A_208 = arith.constant 0 : i32
    %dma_start3A_209 = tpu.memref_slice %arg21[%dma_start3A_207, %dma_start3A_208] : memref<4x128xf32, #tpu.memory_space<vmem>> -> memref<1x128xf32, #tpu.memory_space<vmem>>
    %dma_start3A_210 = tpu.memref_squeeze %dma_start3A_209 : memref<1x128xf32, #tpu.memory_space<vmem>> -> memref<128xf32, #tpu.memory_space<vmem>>
    %dma_start3A_211 = arith.constant 0 : i32
    %dma_start3A_212 = tpu.memref_slice %arg17[%dma_start3A_206, %dma_start3A_211] : memref<4x128xi32, #tpu.memory_space<vmem>> -> memref<1x128xi32, #tpu.memory_space<vmem>>
    %dma_start3A_213 = tpu.memref_squeeze %dma_start3A_212 : memref<1x128xi32, #tpu.memory_space<vmem>> -> memref<128xi32, #tpu.memory_space<vmem>>
    %dma_start3A_214 = arith.constant 0 : i32
    %dma_start3A_215 = tpu.memref_slice %arg9[%dma_start3A_214] : memref<1000000xf32, #tpu.memory_space<hbm>> -> memref<1000000xf32, #tpu.memory_space<hbm>>
    tpu.enqueue_indirect_dma source(%dma_start3A_215 : memref<1000000xf32, #tpu.memory_space<hbm>>) target(%dma_start3A_210 : memref<128xf32, #tpu.memory_space<vmem>>) offsets(%dma_start3A_213 : memref<128xi32, #tpu.memory_space<vmem>>) semaphore(%arg22 : memref<!tpu.dma_semaphore, #tpu.memory_space<semaphore_mem>>)
    %dma_start3A_216 = arith.constant 1 : i32
    %dma_start3A_217 = arith.constant 1 : i32
    %dma_start3A_218 = arith.constant 0 : i32
    %dma_start3A_219 = tpu.memref_slice %arg19[%dma_start3A_217, %dma_start3A_218] : memref<4x128xf32, #tpu.memory_space<vmem>> -> memref<1x128xf32, #tpu.memory_space<vmem>>
    %dma_start3A_220 = tpu.memref_squeeze %dma_start3A_219 : memref<1x128xf32, #tpu.memory_space<vmem>> -> memref<128xf32, #tpu.memory_space<vmem>>
    %dma_start3A_221 = arith.constant 0 : i32
    %dma_start3A_222 = tpu.memref_slice %arg16[%dma_start3A_216, %dma_start3A_221] : memref<4x128xi32, #tpu.memory_space<vmem>> -> memref<1x128xi32, #tpu.memory_space<vmem>>
    %dma_start3A_223 = tpu.memref_squeeze %dma_start3A_222 : memref<1x128xi32, #tpu.memory_space<vmem>> -> memref<128xi32, #tpu.memory_space<vmem>>
    %dma_start3A_224 = arith.constant 0 : i32
    %dma_start3A_225 = tpu.memref_slice %arg7[%dma_start3A_224] : memref<1000000xf32, #tpu.memory_space<hbm>> -> memref<1000000xf32, #tpu.memory_space<hbm>>
    tpu.enqueue_indirect_dma source(%dma_start3A_225 : memref<1000000xf32, #tpu.memory_space<hbm>>) target(%dma_start3A_220 : memref<128xf32, #tpu.memory_space<vmem>>) offsets(%dma_start3A_223 : memref<128xi32, #tpu.memory_space<vmem>>) semaphore(%arg22 : memref<!tpu.dma_semaphore, #tpu.memory_space<semaphore_mem>>)
    %dma_start3A_226 = arith.constant 1 : i32
    %dma_start3A_227 = arith.constant 1 : i32
    %dma_start3A_228 = arith.constant 0 : i32
    %dma_start3A_229 = tpu.memref_slice %arg21[%dma_start3A_227, %dma_start3A_228] : memref<4x128xf32, #tpu.memory_space<vmem>> -> memref<1x128xf32, #tpu.memory_space<vmem>>
    %dma_start3A_230 = tpu.memref_squeeze %dma_start3A_229 : memref<1x128xf32, #tpu.memory_space<vmem>> -> memref<128xf32, #tpu.memory_space<vmem>>
    %dma_start3A_231 = arith.constant 0 : i32
    %dma_start3A_232 = tpu.memref_slice %arg17[%dma_start3A_226, %dma_start3A_231] : memref<4x128xi32, #tpu.memory_space<vmem>> -> memref<1x128xi32, #tpu.memory_space<vmem>>
    %dma_start3A_233 = tpu.memref_squeeze %dma_start3A_232 : memref<1x128xi32, #tpu.memory_space<vmem>> -> memref<128xi32, #tpu.memory_space<vmem>>
    %dma_start3A_234 = arith.constant 0 : i32
    %dma_start3A_235 = tpu.memref_slice %arg9[%dma_start3A_234] : memref<1000000xf32, #tpu.memory_space<hbm>> -> memref<1000000xf32, #tpu.memory_space<hbm>>
    tpu.enqueue_indirect_dma source(%dma_start3A_235 : memref<1000000xf32, #tpu.memory_space<hbm>>) target(%dma_start3A_230 : memref<128xf32, #tpu.memory_space<vmem>>) offsets(%dma_start3A_233 : memref<128xi32, #tpu.memory_space<vmem>>) semaphore(%arg22 : memref<!tpu.dma_semaphore, #tpu.memory_space<semaphore_mem>>)
    %dma_start3A_236 = arith.constant 2 : i32
    %dma_start3A_237 = arith.constant 2 : i32
    %dma_start3A_238 = arith.constant 0 : i32
    %dma_start3A_239 = tpu.memref_slice %arg19[%dma_start3A_237, %dma_start3A_238] : memref<4x128xf32, #tpu.memory_space<vmem>> -> memref<1x128xf32, #tpu.memory_space<vmem>>
    %dma_start3A_240 = tpu.memref_squeeze %dma_start3A_239 : memref<1x128xf32, #tpu.memory_space<vmem>> -> memref<128xf32, #tpu.memory_space<vmem>>
    %dma_start3A_241 = arith.constant 0 : i32
    %dma_start3A_242 = tpu.memref_slice %arg16[%dma_start3A_236, %dma_start3A_241] : memref<4x128xi32, #tpu.memory_space<vmem>> -> memref<1x128xi32, #tpu.memory_space<vmem>>
    %dma_start3A_243 = tpu.memref_squeeze %dma_start3A_242 : memref<1x128xi32, #tpu.memory_space<vmem>> -> memref<128xi32, #tpu.memory_space<vmem>>
    %dma_start3A_244 = arith.constant 0 : i32
    %dma_start3A_245 = tpu.memref_slice %arg7[%dma_start3A_244] : memref<1000000xf32, #tpu.memory_space<hbm>> -> memref<1000000xf32, #tpu.memory_space<hbm>>
    tpu.enqueue_indirect_dma source(%dma_start3A_245 : memref<1000000xf32, #tpu.memory_space<hbm>>) target(%dma_start3A_240 : memref<128xf32, #tpu.memory_space<vmem>>) offsets(%dma_start3A_243 : memref<128xi32, #tpu.memory_space<vmem>>) semaphore(%arg22 : memref<!tpu.dma_semaphore, #tpu.memory_space<semaphore_mem>>)
    %dma_start3A_246 = arith.constant 2 : i32
    %dma_start3A_247 = arith.constant 2 : i32
    %dma_start3A_248 = arith.constant 0 : i32
    %dma_start3A_249 = tpu.memref_slice %arg21[%dma_start3A_247, %dma_start3A_248] : memref<4x128xf32, #tpu.memory_space<vmem>> -> memref<1x128xf32, #tpu.memory_space<vmem>>
    %dma_start3A_250 = tpu.memref_squeeze %dma_start3A_249 : memref<1x128xf32, #tpu.memory_space<vmem>> -> memref<128xf32, #tpu.memory_space<vmem>>
    %dma_start3A_251 = arith.constant 0 : i32
    %dma_start3A_252 = tpu.memref_slice %arg17[%dma_start3A_246, %dma_start3A_251] : memref<4x128xi32, #tpu.memory_space<vmem>> -> memref<1x128xi32, #tpu.memory_space<vmem>>
    %dma_start3A_253 = tpu.memref_squeeze %dma_start3A_252 : memref<1x128xi32, #tpu.memory_space<vmem>> -> memref<128xi32, #tpu.memory_space<vmem>>
    %dma_start3A_254 = arith.constant 0 : i32
    %dma_start3A_255 = tpu.memref_slice %arg9[%dma_start3A_254] : memref<1000000xf32, #tpu.memory_space<hbm>> -> memref<1000000xf32, #tpu.memory_space<hbm>>
    tpu.enqueue_indirect_dma source(%dma_start3A_255 : memref<1000000xf32, #tpu.memory_space<hbm>>) target(%dma_start3A_250 : memref<128xf32, #tpu.memory_space<vmem>>) offsets(%dma_start3A_253 : memref<128xi32, #tpu.memory_space<vmem>>) semaphore(%arg22 : memref<!tpu.dma_semaphore, #tpu.memory_space<semaphore_mem>>)
    %dma_start3A_256 = arith.constant 3 : i32
    %dma_start3A_257 = arith.constant 3 : i32
    %dma_start3A_258 = arith.constant 0 : i32
    %dma_start3A_259 = tpu.memref_slice %arg19[%dma_start3A_257, %dma_start3A_258] : memref<4x128xf32, #tpu.memory_space<vmem>> -> memref<1x128xf32, #tpu.memory_space<vmem>>
    %dma_start3A_260 = tpu.memref_squeeze %dma_start3A_259 : memref<1x128xf32, #tpu.memory_space<vmem>> -> memref<128xf32, #tpu.memory_space<vmem>>
    %dma_start3A_261 = arith.constant 0 : i32
    %dma_start3A_262 = tpu.memref_slice %arg16[%dma_start3A_256, %dma_start3A_261] : memref<4x128xi32, #tpu.memory_space<vmem>> -> memref<1x128xi32, #tpu.memory_space<vmem>>
    %dma_start3A_263 = tpu.memref_squeeze %dma_start3A_262 : memref<1x128xi32, #tpu.memory_space<vmem>> -> memref<128xi32, #tpu.memory_space<vmem>>
    %dma_start3A_264 = arith.constant 0 : i32
    %dma_start3A_265 = tpu.memref_slice %arg7[%dma_start3A_264] : memref<1000000xf32, #tpu.memory_space<hbm>> -> memref<1000000xf32, #tpu.memory_space<hbm>>
    tpu.enqueue_indirect_dma source(%dma_start3A_265 : memref<1000000xf32, #tpu.memory_space<hbm>>) target(%dma_start3A_260 : memref<128xf32, #tpu.memory_space<vmem>>) offsets(%dma_start3A_263 : memref<128xi32, #tpu.memory_space<vmem>>) semaphore(%arg22 : memref<!tpu.dma_semaphore, #tpu.memory_space<semaphore_mem>>)
    %dma_start3A_266 = arith.constant 3 : i32
    %dma_start3A_267 = arith.constant 3 : i32
    %dma_start3A_268 = arith.constant 0 : i32
    %dma_start3A_269 = tpu.memref_slice %arg21[%dma_start3A_267, %dma_start3A_268] : memref<4x128xf32, #tpu.memory_space<vmem>> -> memref<1x128xf32, #tpu.memory_space<vmem>>
    %dma_start3A_270 = tpu.memref_squeeze %dma_start3A_269 : memref<1x128xf32, #tpu.memory_space<vmem>> -> memref<128xf32, #tpu.memory_space<vmem>>
    %dma_start3A_271 = arith.constant 0 : i32
    %dma_start3A_272 = tpu.memref_slice %arg17[%dma_start3A_266, %dma_start3A_271] : memref<4x128xi32, #tpu.memory_space<vmem>> -> memref<1x128xi32, #tpu.memory_space<vmem>>
    %dma_start3A_273 = tpu.memref_squeeze %dma_start3A_272 : memref<1x128xi32, #tpu.memory_space<vmem>> -> memref<128xi32, #tpu.memory_space<vmem>>
    %dma_start3A_274 = arith.constant 0 : i32
    %dma_start3A_275 = tpu.memref_slice %arg9[%dma_start3A_274] : memref<1000000xf32, #tpu.memory_space<hbm>> -> memref<1000000xf32, #tpu.memory_space<hbm>>
    tpu.enqueue_indirect_dma source(%dma_start3A_275 : memref<1000000xf32, #tpu.memory_space<hbm>>) target(%dma_start3A_270 : memref<128xf32, #tpu.memory_space<vmem>>) offsets(%dma_start3A_273 : memref<128xi32, #tpu.memory_space<vmem>>) semaphore(%arg22 : memref<!tpu.dma_semaphore, #tpu.memory_space<semaphore_mem>>)
    %dma_wait3A = arith.constant 0 : i32
    %dma_wait3A_276 = arith.constant 0 : i32
    %dma_wait3A_277 = arith.constant 0 : i32
    %dma_wait3A_278 = arith.constant 0 : i32
    %dma_wait3A_279 = tpu.memref_slice %arg18[%dma_wait3A_276, %dma_wait3A_277, %dma_wait3A_278] : memref<8x128x16xf32, #tpu.memory_space<vmem>> -> memref<1x128x16xf32, #tpu.memory_space<vmem>>
    %dma_wait3A_280 = tpu.memref_squeeze %dma_wait3A_279 : memref<1x128x16xf32, #tpu.memory_space<vmem>> -> memref<128x16xf32, #tpu.memory_space<vmem>>
    %dma_wait3A_281 = arith.constant 0 : i32
    %dma_wait3A_282 = tpu.memref_slice %arg14[%dma_wait3A, %dma_wait3A_281] : memref<8x128xi32, #tpu.memory_space<vmem>> -> memref<1x128xi32, #tpu.memory_space<vmem>>
    %dma_wait3A_283 = tpu.memref_squeeze %dma_wait3A_282 : memref<1x128xi32, #tpu.memory_space<vmem>> -> memref<128xi32, #tpu.memory_space<vmem>>
    %dma_wait3A_284 = arith.constant 0 : i32
    %dma_wait3A_285 = arith.constant 0 : i32
    %dma_wait3A_286 = tpu.memref_slice %arg6[%dma_wait3A_284, %dma_wait3A_285] : memref<2000000x16xf32, #tpu.memory_space<hbm>> -> memref<2000000x16xf32, #tpu.memory_space<hbm>>
    tpu.wait_indirect_dma semaphore(%arg22 : memref<!tpu.dma_semaphore, #tpu.memory_space<semaphore_mem>>) src(%dma_wait3A_286 : memref<2000000x16xf32, #tpu.memory_space<hbm>>) dst(%dma_wait3A_280 : memref<128x16xf32, #tpu.memory_space<vmem>>)
    %dma_wait3A_287 = arith.constant 0 : i32
    %dma_wait3A_288 = arith.constant 0 : i32
    %dma_wait3A_289 = arith.constant 0 : i32
    %dma_wait3A_290 = arith.constant 0 : i32
    %dma_wait3A_291 = tpu.memref_slice %arg20[%dma_wait3A_288, %dma_wait3A_289, %dma_wait3A_290] : memref<8x128x16xf32, #tpu.memory_space<vmem>> -> memref<1x128x16xf32, #tpu.memory_space<vmem>>
    %dma_wait3A_292 = tpu.memref_squeeze %dma_wait3A_291 : memref<1x128x16xf32, #tpu.memory_space<vmem>> -> memref<128x16xf32, #tpu.memory_space<vmem>>
    %dma_wait3A_293 = arith.constant 0 : i32
    %dma_wait3A_294 = tpu.memref_slice %arg15[%dma_wait3A_287, %dma_wait3A_293] : memref<8x128xi32, #tpu.memory_space<vmem>> -> memref<1x128xi32, #tpu.memory_space<vmem>>
    %dma_wait3A_295 = tpu.memref_squeeze %dma_wait3A_294 : memref<1x128xi32, #tpu.memory_space<vmem>> -> memref<128xi32, #tpu.memory_space<vmem>>
    %dma_wait3A_296 = arith.constant 0 : i32
    %dma_wait3A_297 = arith.constant 0 : i32
    %dma_wait3A_298 = tpu.memref_slice %arg8[%dma_wait3A_296, %dma_wait3A_297] : memref<2000000x16xf32, #tpu.memory_space<hbm>> -> memref<2000000x16xf32, #tpu.memory_space<hbm>>
    tpu.wait_indirect_dma semaphore(%arg22 : memref<!tpu.dma_semaphore, #tpu.memory_space<semaphore_mem>>) src(%dma_wait3A_298 : memref<2000000x16xf32, #tpu.memory_space<hbm>>) dst(%dma_wait3A_292 : memref<128x16xf32, #tpu.memory_space<vmem>>)
    %dma_wait3A_299 = arith.constant 1 : i32
    %dma_wait3A_300 = arith.constant 1 : i32
    %dma_wait3A_301 = arith.constant 0 : i32
    %dma_wait3A_302 = arith.constant 0 : i32
    %dma_wait3A_303 = tpu.memref_slice %arg18[%dma_wait3A_300, %dma_wait3A_301, %dma_wait3A_302] : memref<8x128x16xf32, #tpu.memory_space<vmem>> -> memref<1x128x16xf32, #tpu.memory_space<vmem>>
    %dma_wait3A_304 = tpu.memref_squeeze %dma_wait3A_303 : memref<1x128x16xf32, #tpu.memory_space<vmem>> -> memref<128x16xf32, #tpu.memory_space<vmem>>
    %dma_wait3A_305 = arith.constant 0 : i32
    %dma_wait3A_306 = tpu.memref_slice %arg14[%dma_wait3A_299, %dma_wait3A_305] : memref<8x128xi32, #tpu.memory_space<vmem>> -> memref<1x128xi32, #tpu.memory_space<vmem>>
    %dma_wait3A_307 = tpu.memref_squeeze %dma_wait3A_306 : memref<1x128xi32, #tpu.memory_space<vmem>> -> memref<128xi32, #tpu.memory_space<vmem>>
    %dma_wait3A_308 = arith.constant 0 : i32
    %dma_wait3A_309 = arith.constant 0 : i32
    %dma_wait3A_310 = tpu.memref_slice %arg6[%dma_wait3A_308, %dma_wait3A_309] : memref<2000000x16xf32, #tpu.memory_space<hbm>> -> memref<2000000x16xf32, #tpu.memory_space<hbm>>
    tpu.wait_indirect_dma semaphore(%arg22 : memref<!tpu.dma_semaphore, #tpu.memory_space<semaphore_mem>>) src(%dma_wait3A_310 : memref<2000000x16xf32, #tpu.memory_space<hbm>>) dst(%dma_wait3A_304 : memref<128x16xf32, #tpu.memory_space<vmem>>)
    %dma_wait3A_311 = arith.constant 1 : i32
    %dma_wait3A_312 = arith.constant 1 : i32
    %dma_wait3A_313 = arith.constant 0 : i32
    %dma_wait3A_314 = arith.constant 0 : i32
    %dma_wait3A_315 = tpu.memref_slice %arg20[%dma_wait3A_312, %dma_wait3A_313, %dma_wait3A_314] : memref<8x128x16xf32, #tpu.memory_space<vmem>> -> memref<1x128x16xf32, #tpu.memory_space<vmem>>
    %dma_wait3A_316 = tpu.memref_squeeze %dma_wait3A_315 : memref<1x128x16xf32, #tpu.memory_space<vmem>> -> memref<128x16xf32, #tpu.memory_space<vmem>>
    %dma_wait3A_317 = arith.constant 0 : i32
    %dma_wait3A_318 = tpu.memref_slice %arg15[%dma_wait3A_311, %dma_wait3A_317] : memref<8x128xi32, #tpu.memory_space<vmem>> -> memref<1x128xi32, #tpu.memory_space<vmem>>
    %dma_wait3A_319 = tpu.memref_squeeze %dma_wait3A_318 : memref<1x128xi32, #tpu.memory_space<vmem>> -> memref<128xi32, #tpu.memory_space<vmem>>
    %dma_wait3A_320 = arith.constant 0 : i32
    %dma_wait3A_321 = arith.constant 0 : i32
    %dma_wait3A_322 = tpu.memref_slice %arg8[%dma_wait3A_320, %dma_wait3A_321] : memref<2000000x16xf32, #tpu.memory_space<hbm>> -> memref<2000000x16xf32, #tpu.memory_space<hbm>>
    tpu.wait_indirect_dma semaphore(%arg22 : memref<!tpu.dma_semaphore, #tpu.memory_space<semaphore_mem>>) src(%dma_wait3A_322 : memref<2000000x16xf32, #tpu.memory_space<hbm>>) dst(%dma_wait3A_316 : memref<128x16xf32, #tpu.memory_space<vmem>>)
    %dma_wait3A_323 = arith.constant 2 : i32
    %dma_wait3A_324 = arith.constant 2 : i32
    %dma_wait3A_325 = arith.constant 0 : i32
    %dma_wait3A_326 = arith.constant 0 : i32
    %dma_wait3A_327 = tpu.memref_slice %arg18[%dma_wait3A_324, %dma_wait3A_325, %dma_wait3A_326] : memref<8x128x16xf32, #tpu.memory_space<vmem>> -> memref<1x128x16xf32, #tpu.memory_space<vmem>>
    %dma_wait3A_328 = tpu.memref_squeeze %dma_wait3A_327 : memref<1x128x16xf32, #tpu.memory_space<vmem>> -> memref<128x16xf32, #tpu.memory_space<vmem>>
    %dma_wait3A_329 = arith.constant 0 : i32
    %dma_wait3A_330 = tpu.memref_slice %arg14[%dma_wait3A_323, %dma_wait3A_329] : memref<8x128xi32, #tpu.memory_space<vmem>> -> memref<1x128xi32, #tpu.memory_space<vmem>>
    %dma_wait3A_331 = tpu.memref_squeeze %dma_wait3A_330 : memref<1x128xi32, #tpu.memory_space<vmem>> -> memref<128xi32, #tpu.memory_space<vmem>>
    %dma_wait3A_332 = arith.constant 0 : i32
    %dma_wait3A_333 = arith.constant 0 : i32
    %dma_wait3A_334 = tpu.memref_slice %arg6[%dma_wait3A_332, %dma_wait3A_333] : memref<2000000x16xf32, #tpu.memory_space<hbm>> -> memref<2000000x16xf32, #tpu.memory_space<hbm>>
    tpu.wait_indirect_dma semaphore(%arg22 : memref<!tpu.dma_semaphore, #tpu.memory_space<semaphore_mem>>) src(%dma_wait3A_334 : memref<2000000x16xf32, #tpu.memory_space<hbm>>) dst(%dma_wait3A_328 : memref<128x16xf32, #tpu.memory_space<vmem>>)
    %dma_wait3A_335 = arith.constant 2 : i32
    %dma_wait3A_336 = arith.constant 2 : i32
    %dma_wait3A_337 = arith.constant 0 : i32
    %dma_wait3A_338 = arith.constant 0 : i32
    %dma_wait3A_339 = tpu.memref_slice %arg20[%dma_wait3A_336, %dma_wait3A_337, %dma_wait3A_338] : memref<8x128x16xf32, #tpu.memory_space<vmem>> -> memref<1x128x16xf32, #tpu.memory_space<vmem>>
    %dma_wait3A_340 = tpu.memref_squeeze %dma_wait3A_339 : memref<1x128x16xf32, #tpu.memory_space<vmem>> -> memref<128x16xf32, #tpu.memory_space<vmem>>
    %dma_wait3A_341 = arith.constant 0 : i32
    %dma_wait3A_342 = tpu.memref_slice %arg15[%dma_wait3A_335, %dma_wait3A_341] : memref<8x128xi32, #tpu.memory_space<vmem>> -> memref<1x128xi32, #tpu.memory_space<vmem>>
    %dma_wait3A_343 = tpu.memref_squeeze %dma_wait3A_342 : memref<1x128xi32, #tpu.memory_space<vmem>> -> memref<128xi32, #tpu.memory_space<vmem>>
    %dma_wait3A_344 = arith.constant 0 : i32
    %dma_wait3A_345 = arith.constant 0 : i32
    %dma_wait3A_346 = tpu.memref_slice %arg8[%dma_wait3A_344, %dma_wait3A_345] : memref<2000000x16xf32, #tpu.memory_space<hbm>> -> memref<2000000x16xf32, #tpu.memory_space<hbm>>
    tpu.wait_indirect_dma semaphore(%arg22 : memref<!tpu.dma_semaphore, #tpu.memory_space<semaphore_mem>>) src(%dma_wait3A_346 : memref<2000000x16xf32, #tpu.memory_space<hbm>>) dst(%dma_wait3A_340 : memref<128x16xf32, #tpu.memory_space<vmem>>)
    %dma_wait3A_347 = arith.constant 3 : i32
    %dma_wait3A_348 = arith.constant 3 : i32
    %dma_wait3A_349 = arith.constant 0 : i32
    %dma_wait3A_350 = arith.constant 0 : i32
    %dma_wait3A_351 = tpu.memref_slice %arg18[%dma_wait3A_348, %dma_wait3A_349, %dma_wait3A_350] : memref<8x128x16xf32, #tpu.memory_space<vmem>> -> memref<1x128x16xf32, #tpu.memory_space<vmem>>
    %dma_wait3A_352 = tpu.memref_squeeze %dma_wait3A_351 : memref<1x128x16xf32, #tpu.memory_space<vmem>> -> memref<128x16xf32, #tpu.memory_space<vmem>>
    %dma_wait3A_353 = arith.constant 0 : i32
    %dma_wait3A_354 = tpu.memref_slice %arg14[%dma_wait3A_347, %dma_wait3A_353] : memref<8x128xi32, #tpu.memory_space<vmem>> -> memref<1x128xi32, #tpu.memory_space<vmem>>
    %dma_wait3A_355 = tpu.memref_squeeze %dma_wait3A_354 : memref<1x128xi32, #tpu.memory_space<vmem>> -> memref<128xi32, #tpu.memory_space<vmem>>
    %dma_wait3A_356 = arith.constant 0 : i32
    %dma_wait3A_357 = arith.constant 0 : i32
    %dma_wait3A_358 = tpu.memref_slice %arg6[%dma_wait3A_356, %dma_wait3A_357] : memref<2000000x16xf32, #tpu.memory_space<hbm>> -> memref<2000000x16xf32, #tpu.memory_space<hbm>>
    tpu.wait_indirect_dma semaphore(%arg22 : memref<!tpu.dma_semaphore, #tpu.memory_space<semaphore_mem>>) src(%dma_wait3A_358 : memref<2000000x16xf32, #tpu.memory_space<hbm>>) dst(%dma_wait3A_352 : memref<128x16xf32, #tpu.memory_space<vmem>>)
    %dma_wait3A_359 = arith.constant 3 : i32
    %dma_wait3A_360 = arith.constant 3 : i32
    %dma_wait3A_361 = arith.constant 0 : i32
    %dma_wait3A_362 = arith.constant 0 : i32
    %dma_wait3A_363 = tpu.memref_slice %arg20[%dma_wait3A_360, %dma_wait3A_361, %dma_wait3A_362] : memref<8x128x16xf32, #tpu.memory_space<vmem>> -> memref<1x128x16xf32, #tpu.memory_space<vmem>>
    %dma_wait3A_364 = tpu.memref_squeeze %dma_wait3A_363 : memref<1x128x16xf32, #tpu.memory_space<vmem>> -> memref<128x16xf32, #tpu.memory_space<vmem>>
    %dma_wait3A_365 = arith.constant 0 : i32
    %dma_wait3A_366 = tpu.memref_slice %arg15[%dma_wait3A_359, %dma_wait3A_365] : memref<8x128xi32, #tpu.memory_space<vmem>> -> memref<1x128xi32, #tpu.memory_space<vmem>>
    %dma_wait3A_367 = tpu.memref_squeeze %dma_wait3A_366 : memref<1x128xi32, #tpu.memory_space<vmem>> -> memref<128xi32, #tpu.memory_space<vmem>>
    %dma_wait3A_368 = arith.constant 0 : i32
    %dma_wait3A_369 = arith.constant 0 : i32
    %dma_wait3A_370 = tpu.memref_slice %arg8[%dma_wait3A_368, %dma_wait3A_369] : memref<2000000x16xf32, #tpu.memory_space<hbm>> -> memref<2000000x16xf32, #tpu.memory_space<hbm>>
    tpu.wait_indirect_dma semaphore(%arg22 : memref<!tpu.dma_semaphore, #tpu.memory_space<semaphore_mem>>) src(%dma_wait3A_370 : memref<2000000x16xf32, #tpu.memory_space<hbm>>) dst(%dma_wait3A_364 : memref<128x16xf32, #tpu.memory_space<vmem>>)
    %dma_wait3A_371 = arith.constant 4 : i32
    %dma_wait3A_372 = arith.constant 4 : i32
    %dma_wait3A_373 = arith.constant 0 : i32
    %dma_wait3A_374 = arith.constant 0 : i32
    %dma_wait3A_375 = tpu.memref_slice %arg18[%dma_wait3A_372, %dma_wait3A_373, %dma_wait3A_374] : memref<8x128x16xf32, #tpu.memory_space<vmem>> -> memref<1x128x16xf32, #tpu.memory_space<vmem>>
    %dma_wait3A_376 = tpu.memref_squeeze %dma_wait3A_375 : memref<1x128x16xf32, #tpu.memory_space<vmem>> -> memref<128x16xf32, #tpu.memory_space<vmem>>
    %dma_wait3A_377 = arith.constant 0 : i32
    %dma_wait3A_378 = tpu.memref_slice %arg14[%dma_wait3A_371, %dma_wait3A_377] : memref<8x128xi32, #tpu.memory_space<vmem>> -> memref<1x128xi32, #tpu.memory_space<vmem>>
    %dma_wait3A_379 = tpu.memref_squeeze %dma_wait3A_378 : memref<1x128xi32, #tpu.memory_space<vmem>> -> memref<128xi32, #tpu.memory_space<vmem>>
    %dma_wait3A_380 = arith.constant 0 : i32
    %dma_wait3A_381 = arith.constant 0 : i32
    %dma_wait3A_382 = tpu.memref_slice %arg6[%dma_wait3A_380, %dma_wait3A_381] : memref<2000000x16xf32, #tpu.memory_space<hbm>> -> memref<2000000x16xf32, #tpu.memory_space<hbm>>
    tpu.wait_indirect_dma semaphore(%arg22 : memref<!tpu.dma_semaphore, #tpu.memory_space<semaphore_mem>>) src(%dma_wait3A_382 : memref<2000000x16xf32, #tpu.memory_space<hbm>>) dst(%dma_wait3A_376 : memref<128x16xf32, #tpu.memory_space<vmem>>)
    %dma_wait3A_383 = arith.constant 4 : i32
    %dma_wait3A_384 = arith.constant 4 : i32
    %dma_wait3A_385 = arith.constant 0 : i32
    %dma_wait3A_386 = arith.constant 0 : i32
    %dma_wait3A_387 = tpu.memref_slice %arg20[%dma_wait3A_384, %dma_wait3A_385, %dma_wait3A_386] : memref<8x128x16xf32, #tpu.memory_space<vmem>> -> memref<1x128x16xf32, #tpu.memory_space<vmem>>
    %dma_wait3A_388 = tpu.memref_squeeze %dma_wait3A_387 : memref<1x128x16xf32, #tpu.memory_space<vmem>> -> memref<128x16xf32, #tpu.memory_space<vmem>>
    %dma_wait3A_389 = arith.constant 0 : i32
    %dma_wait3A_390 = tpu.memref_slice %arg15[%dma_wait3A_383, %dma_wait3A_389] : memref<8x128xi32, #tpu.memory_space<vmem>> -> memref<1x128xi32, #tpu.memory_space<vmem>>
    %dma_wait3A_391 = tpu.memref_squeeze %dma_wait3A_390 : memref<1x128xi32, #tpu.memory_space<vmem>> -> memref<128xi32, #tpu.memory_space<vmem>>
    %dma_wait3A_392 = arith.constant 0 : i32
    %dma_wait3A_393 = arith.constant 0 : i32
    %dma_wait3A_394 = tpu.memref_slice %arg8[%dma_wait3A_392, %dma_wait3A_393] : memref<2000000x16xf32, #tpu.memory_space<hbm>> -> memref<2000000x16xf32, #tpu.memory_space<hbm>>
    tpu.wait_indirect_dma semaphore(%arg22 : memref<!tpu.dma_semaphore, #tpu.memory_space<semaphore_mem>>) src(%dma_wait3A_394 : memref<2000000x16xf32, #tpu.memory_space<hbm>>) dst(%dma_wait3A_388 : memref<128x16xf32, #tpu.memory_space<vmem>>)
    %dma_wait3A_395 = arith.constant 5 : i32
    %dma_wait3A_396 = arith.constant 5 : i32
    %dma_wait3A_397 = arith.constant 0 : i32
    %dma_wait3A_398 = arith.constant 0 : i32
    %dma_wait3A_399 = tpu.memref_slice %arg18[%dma_wait3A_396, %dma_wait3A_397, %dma_wait3A_398] : memref<8x128x16xf32, #tpu.memory_space<vmem>> -> memref<1x128x16xf32, #tpu.memory_space<vmem>>
    %dma_wait3A_400 = tpu.memref_squeeze %dma_wait3A_399 : memref<1x128x16xf32, #tpu.memory_space<vmem>> -> memref<128x16xf32, #tpu.memory_space<vmem>>
    %dma_wait3A_401 = arith.constant 0 : i32
    %dma_wait3A_402 = tpu.memref_slice %arg14[%dma_wait3A_395, %dma_wait3A_401] : memref<8x128xi32, #tpu.memory_space<vmem>> -> memref<1x128xi32, #tpu.memory_space<vmem>>
    %dma_wait3A_403 = tpu.memref_squeeze %dma_wait3A_402 : memref<1x128xi32, #tpu.memory_space<vmem>> -> memref<128xi32, #tpu.memory_space<vmem>>
    %dma_wait3A_404 = arith.constant 0 : i32
    %dma_wait3A_405 = arith.constant 0 : i32
    %dma_wait3A_406 = tpu.memref_slice %arg6[%dma_wait3A_404, %dma_wait3A_405] : memref<2000000x16xf32, #tpu.memory_space<hbm>> -> memref<2000000x16xf32, #tpu.memory_space<hbm>>
    tpu.wait_indirect_dma semaphore(%arg22 : memref<!tpu.dma_semaphore, #tpu.memory_space<semaphore_mem>>) src(%dma_wait3A_406 : memref<2000000x16xf32, #tpu.memory_space<hbm>>) dst(%dma_wait3A_400 : memref<128x16xf32, #tpu.memory_space<vmem>>)
    %dma_wait3A_407 = arith.constant 5 : i32
    %dma_wait3A_408 = arith.constant 5 : i32
    %dma_wait3A_409 = arith.constant 0 : i32
    %dma_wait3A_410 = arith.constant 0 : i32
    %dma_wait3A_411 = tpu.memref_slice %arg20[%dma_wait3A_408, %dma_wait3A_409, %dma_wait3A_410] : memref<8x128x16xf32, #tpu.memory_space<vmem>> -> memref<1x128x16xf32, #tpu.memory_space<vmem>>
    %dma_wait3A_412 = tpu.memref_squeeze %dma_wait3A_411 : memref<1x128x16xf32, #tpu.memory_space<vmem>> -> memref<128x16xf32, #tpu.memory_space<vmem>>
    %dma_wait3A_413 = arith.constant 0 : i32
    %dma_wait3A_414 = tpu.memref_slice %arg15[%dma_wait3A_407, %dma_wait3A_413] : memref<8x128xi32, #tpu.memory_space<vmem>> -> memref<1x128xi32, #tpu.memory_space<vmem>>
    %dma_wait3A_415 = tpu.memref_squeeze %dma_wait3A_414 : memref<1x128xi32, #tpu.memory_space<vmem>> -> memref<128xi32, #tpu.memory_space<vmem>>
    %dma_wait3A_416 = arith.constant 0 : i32
    %dma_wait3A_417 = arith.constant 0 : i32
    %dma_wait3A_418 = tpu.memref_slice %arg8[%dma_wait3A_416, %dma_wait3A_417] : memref<2000000x16xf32, #tpu.memory_space<hbm>> -> memref<2000000x16xf32, #tpu.memory_space<hbm>>
    tpu.wait_indirect_dma semaphore(%arg22 : memref<!tpu.dma_semaphore, #tpu.memory_space<semaphore_mem>>) src(%dma_wait3A_418 : memref<2000000x16xf32, #tpu.memory_space<hbm>>) dst(%dma_wait3A_412 : memref<128x16xf32, #tpu.memory_space<vmem>>)
    %dma_wait3A_419 = arith.constant 6 : i32
    %dma_wait3A_420 = arith.constant 6 : i32
    %dma_wait3A_421 = arith.constant 0 : i32
    %dma_wait3A_422 = arith.constant 0 : i32
    %dma_wait3A_423 = tpu.memref_slice %arg18[%dma_wait3A_420, %dma_wait3A_421, %dma_wait3A_422] : memref<8x128x16xf32, #tpu.memory_space<vmem>> -> memref<1x128x16xf32, #tpu.memory_space<vmem>>
    %dma_wait3A_424 = tpu.memref_squeeze %dma_wait3A_423 : memref<1x128x16xf32, #tpu.memory_space<vmem>> -> memref<128x16xf32, #tpu.memory_space<vmem>>
    %dma_wait3A_425 = arith.constant 0 : i32
    %dma_wait3A_426 = tpu.memref_slice %arg14[%dma_wait3A_419, %dma_wait3A_425] : memref<8x128xi32, #tpu.memory_space<vmem>> -> memref<1x128xi32, #tpu.memory_space<vmem>>
    %dma_wait3A_427 = tpu.memref_squeeze %dma_wait3A_426 : memref<1x128xi32, #tpu.memory_space<vmem>> -> memref<128xi32, #tpu.memory_space<vmem>>
    %dma_wait3A_428 = arith.constant 0 : i32
    %dma_wait3A_429 = arith.constant 0 : i32
    %dma_wait3A_430 = tpu.memref_slice %arg6[%dma_wait3A_428, %dma_wait3A_429] : memref<2000000x16xf32, #tpu.memory_space<hbm>> -> memref<2000000x16xf32, #tpu.memory_space<hbm>>
    tpu.wait_indirect_dma semaphore(%arg22 : memref<!tpu.dma_semaphore, #tpu.memory_space<semaphore_mem>>) src(%dma_wait3A_430 : memref<2000000x16xf32, #tpu.memory_space<hbm>>) dst(%dma_wait3A_424 : memref<128x16xf32, #tpu.memory_space<vmem>>)
    %dma_wait3A_431 = arith.constant 6 : i32
    %dma_wait3A_432 = arith.constant 6 : i32
    %dma_wait3A_433 = arith.constant 0 : i32
    %dma_wait3A_434 = arith.constant 0 : i32
    %dma_wait3A_435 = tpu.memref_slice %arg20[%dma_wait3A_432, %dma_wait3A_433, %dma_wait3A_434] : memref<8x128x16xf32, #tpu.memory_space<vmem>> -> memref<1x128x16xf32, #tpu.memory_space<vmem>>
    %dma_wait3A_436 = tpu.memref_squeeze %dma_wait3A_435 : memref<1x128x16xf32, #tpu.memory_space<vmem>> -> memref<128x16xf32, #tpu.memory_space<vmem>>
    %dma_wait3A_437 = arith.constant 0 : i32
    %dma_wait3A_438 = tpu.memref_slice %arg15[%dma_wait3A_431, %dma_wait3A_437] : memref<8x128xi32, #tpu.memory_space<vmem>> -> memref<1x128xi32, #tpu.memory_space<vmem>>
    %dma_wait3A_439 = tpu.memref_squeeze %dma_wait3A_438 : memref<1x128xi32, #tpu.memory_space<vmem>> -> memref<128xi32, #tpu.memory_space<vmem>>
    %dma_wait3A_440 = arith.constant 0 : i32
    %dma_wait3A_441 = arith.constant 0 : i32
    %dma_wait3A_442 = tpu.memref_slice %arg8[%dma_wait3A_440, %dma_wait3A_441] : memref<2000000x16xf32, #tpu.memory_space<hbm>> -> memref<2000000x16xf32, #tpu.memory_space<hbm>>
    tpu.wait_indirect_dma semaphore(%arg22 : memref<!tpu.dma_semaphore, #tpu.memory_space<semaphore_mem>>) src(%dma_wait3A_442 : memref<2000000x16xf32, #tpu.memory_space<hbm>>) dst(%dma_wait3A_436 : memref<128x16xf32, #tpu.memory_space<vmem>>)
    %dma_wait3A_443 = arith.constant 7 : i32
    %dma_wait3A_444 = arith.constant 7 : i32
    %dma_wait3A_445 = arith.constant 0 : i32
    %dma_wait3A_446 = arith.constant 0 : i32
    %dma_wait3A_447 = tpu.memref_slice %arg18[%dma_wait3A_444, %dma_wait3A_445, %dma_wait3A_446] : memref<8x128x16xf32, #tpu.memory_space<vmem>> -> memref<1x128x16xf32, #tpu.memory_space<vmem>>
    %dma_wait3A_448 = tpu.memref_squeeze %dma_wait3A_447 : memref<1x128x16xf32, #tpu.memory_space<vmem>> -> memref<128x16xf32, #tpu.memory_space<vmem>>
    %dma_wait3A_449 = arith.constant 0 : i32
    %dma_wait3A_450 = tpu.memref_slice %arg14[%dma_wait3A_443, %dma_wait3A_449] : memref<8x128xi32, #tpu.memory_space<vmem>> -> memref<1x128xi32, #tpu.memory_space<vmem>>
    %dma_wait3A_451 = tpu.memref_squeeze %dma_wait3A_450 : memref<1x128xi32, #tpu.memory_space<vmem>> -> memref<128xi32, #tpu.memory_space<vmem>>
    %dma_wait3A_452 = arith.constant 0 : i32
    %dma_wait3A_453 = arith.constant 0 : i32
    %dma_wait3A_454 = tpu.memref_slice %arg6[%dma_wait3A_452, %dma_wait3A_453] : memref<2000000x16xf32, #tpu.memory_space<hbm>> -> memref<2000000x16xf32, #tpu.memory_space<hbm>>
    tpu.wait_indirect_dma semaphore(%arg22 : memref<!tpu.dma_semaphore, #tpu.memory_space<semaphore_mem>>) src(%dma_wait3A_454 : memref<2000000x16xf32, #tpu.memory_space<hbm>>) dst(%dma_wait3A_448 : memref<128x16xf32, #tpu.memory_space<vmem>>)
    %dma_wait3A_455 = arith.constant 7 : i32
    %dma_wait3A_456 = arith.constant 7 : i32
    %dma_wait3A_457 = arith.constant 0 : i32
    %dma_wait3A_458 = arith.constant 0 : i32
    %dma_wait3A_459 = tpu.memref_slice %arg20[%dma_wait3A_456, %dma_wait3A_457, %dma_wait3A_458] : memref<8x128x16xf32, #tpu.memory_space<vmem>> -> memref<1x128x16xf32, #tpu.memory_space<vmem>>
    %dma_wait3A_460 = tpu.memref_squeeze %dma_wait3A_459 : memref<1x128x16xf32, #tpu.memory_space<vmem>> -> memref<128x16xf32, #tpu.memory_space<vmem>>
    %dma_wait3A_461 = arith.constant 0 : i32
    %dma_wait3A_462 = tpu.memref_slice %arg15[%dma_wait3A_455, %dma_wait3A_461] : memref<8x128xi32, #tpu.memory_space<vmem>> -> memref<1x128xi32, #tpu.memory_space<vmem>>
    %dma_wait3A_463 = tpu.memref_squeeze %dma_wait3A_462 : memref<1x128xi32, #tpu.memory_space<vmem>> -> memref<128xi32, #tpu.memory_space<vmem>>
    %dma_wait3A_464 = arith.constant 0 : i32
    %dma_wait3A_465 = arith.constant 0 : i32
    %dma_wait3A_466 = tpu.memref_slice %arg8[%dma_wait3A_464, %dma_wait3A_465] : memref<2000000x16xf32, #tpu.memory_space<hbm>> -> memref<2000000x16xf32, #tpu.memory_space<hbm>>
    tpu.wait_indirect_dma semaphore(%arg22 : memref<!tpu.dma_semaphore, #tpu.memory_space<semaphore_mem>>) src(%dma_wait3A_466 : memref<2000000x16xf32, #tpu.memory_space<hbm>>) dst(%dma_wait3A_460 : memref<128x16xf32, #tpu.memory_space<vmem>>)
    %dma_wait3A_467 = arith.constant 0 : i32
    %dma_wait3A_468 = arith.constant 0 : i32
    %dma_wait3A_469 = arith.constant 0 : i32
    %dma_wait3A_470 = tpu.memref_slice %arg19[%dma_wait3A_468, %dma_wait3A_469] : memref<4x128xf32, #tpu.memory_space<vmem>> -> memref<1x128xf32, #tpu.memory_space<vmem>>
    %dma_wait3A_471 = tpu.memref_squeeze %dma_wait3A_470 : memref<1x128xf32, #tpu.memory_space<vmem>> -> memref<128xf32, #tpu.memory_space<vmem>>
    %dma_wait3A_472 = arith.constant 0 : i32
    %dma_wait3A_473 = tpu.memref_slice %arg16[%dma_wait3A_467, %dma_wait3A_472] : memref<4x128xi32, #tpu.memory_space<vmem>> -> memref<1x128xi32, #tpu.memory_space<vmem>>
    %dma_wait3A_474 = tpu.memref_squeeze %dma_wait3A_473 : memref<1x128xi32, #tpu.memory_space<vmem>> -> memref<128xi32, #tpu.memory_space<vmem>>
    %dma_wait3A_475 = arith.constant 0 : i32
    %dma_wait3A_476 = tpu.memref_slice %arg7[%dma_wait3A_475] : memref<1000000xf32, #tpu.memory_space<hbm>> -> memref<1000000xf32, #tpu.memory_space<hbm>>
    tpu.wait_indirect_dma semaphore(%arg22 : memref<!tpu.dma_semaphore, #tpu.memory_space<semaphore_mem>>) src(%dma_wait3A_476 : memref<1000000xf32, #tpu.memory_space<hbm>>) dst(%dma_wait3A_471 : memref<128xf32, #tpu.memory_space<vmem>>)
    %dma_wait3A_477 = arith.constant 0 : i32
    %dma_wait3A_478 = arith.constant 0 : i32
    %dma_wait3A_479 = arith.constant 0 : i32
    %dma_wait3A_480 = tpu.memref_slice %arg21[%dma_wait3A_478, %dma_wait3A_479] : memref<4x128xf32, #tpu.memory_space<vmem>> -> memref<1x128xf32, #tpu.memory_space<vmem>>
    %dma_wait3A_481 = tpu.memref_squeeze %dma_wait3A_480 : memref<1x128xf32, #tpu.memory_space<vmem>> -> memref<128xf32, #tpu.memory_space<vmem>>
    %dma_wait3A_482 = arith.constant 0 : i32
    %dma_wait3A_483 = tpu.memref_slice %arg17[%dma_wait3A_477, %dma_wait3A_482] : memref<4x128xi32, #tpu.memory_space<vmem>> -> memref<1x128xi32, #tpu.memory_space<vmem>>
    %dma_wait3A_484 = tpu.memref_squeeze %dma_wait3A_483 : memref<1x128xi32, #tpu.memory_space<vmem>> -> memref<128xi32, #tpu.memory_space<vmem>>
    %dma_wait3A_485 = arith.constant 0 : i32
    %dma_wait3A_486 = tpu.memref_slice %arg9[%dma_wait3A_485] : memref<1000000xf32, #tpu.memory_space<hbm>> -> memref<1000000xf32, #tpu.memory_space<hbm>>
    tpu.wait_indirect_dma semaphore(%arg22 : memref<!tpu.dma_semaphore, #tpu.memory_space<semaphore_mem>>) src(%dma_wait3A_486 : memref<1000000xf32, #tpu.memory_space<hbm>>) dst(%dma_wait3A_481 : memref<128xf32, #tpu.memory_space<vmem>>)
    %dma_wait3A_487 = arith.constant 1 : i32
    %dma_wait3A_488 = arith.constant 1 : i32
    %dma_wait3A_489 = arith.constant 0 : i32
    %dma_wait3A_490 = tpu.memref_slice %arg19[%dma_wait3A_488, %dma_wait3A_489] : memref<4x128xf32, #tpu.memory_space<vmem>> -> memref<1x128xf32, #tpu.memory_space<vmem>>
    %dma_wait3A_491 = tpu.memref_squeeze %dma_wait3A_490 : memref<1x128xf32, #tpu.memory_space<vmem>> -> memref<128xf32, #tpu.memory_space<vmem>>
    %dma_wait3A_492 = arith.constant 0 : i32
    %dma_wait3A_493 = tpu.memref_slice %arg16[%dma_wait3A_487, %dma_wait3A_492] : memref<4x128xi32, #tpu.memory_space<vmem>> -> memref<1x128xi32, #tpu.memory_space<vmem>>
    %dma_wait3A_494 = tpu.memref_squeeze %dma_wait3A_493 : memref<1x128xi32, #tpu.memory_space<vmem>> -> memref<128xi32, #tpu.memory_space<vmem>>
    %dma_wait3A_495 = arith.constant 0 : i32
    %dma_wait3A_496 = tpu.memref_slice %arg7[%dma_wait3A_495] : memref<1000000xf32, #tpu.memory_space<hbm>> -> memref<1000000xf32, #tpu.memory_space<hbm>>
    tpu.wait_indirect_dma semaphore(%arg22 : memref<!tpu.dma_semaphore, #tpu.memory_space<semaphore_mem>>) src(%dma_wait3A_496 : memref<1000000xf32, #tpu.memory_space<hbm>>) dst(%dma_wait3A_491 : memref<128xf32, #tpu.memory_space<vmem>>)
    %dma_wait3A_497 = arith.constant 1 : i32
    %dma_wait3A_498 = arith.constant 1 : i32
    %dma_wait3A_499 = arith.constant 0 : i32
    %dma_wait3A_500 = tpu.memref_slice %arg21[%dma_wait3A_498, %dma_wait3A_499] : memref<4x128xf32, #tpu.memory_space<vmem>> -> memref<1x128xf32, #tpu.memory_space<vmem>>
    %dma_wait3A_501 = tpu.memref_squeeze %dma_wait3A_500 : memref<1x128xf32, #tpu.memory_space<vmem>> -> memref<128xf32, #tpu.memory_space<vmem>>
    %dma_wait3A_502 = arith.constant 0 : i32
    %dma_wait3A_503 = tpu.memref_slice %arg17[%dma_wait3A_497, %dma_wait3A_502] : memref<4x128xi32, #tpu.memory_space<vmem>> -> memref<1x128xi32, #tpu.memory_space<vmem>>
    %dma_wait3A_504 = tpu.memref_squeeze %dma_wait3A_503 : memref<1x128xi32, #tpu.memory_space<vmem>> -> memref<128xi32, #tpu.memory_space<vmem>>
    %dma_wait3A_505 = arith.constant 0 : i32
    %dma_wait3A_506 = tpu.memref_slice %arg9[%dma_wait3A_505] : memref<1000000xf32, #tpu.memory_space<hbm>> -> memref<1000000xf32, #tpu.memory_space<hbm>>
    tpu.wait_indirect_dma semaphore(%arg22 : memref<!tpu.dma_semaphore, #tpu.memory_space<semaphore_mem>>) src(%dma_wait3A_506 : memref<1000000xf32, #tpu.memory_space<hbm>>) dst(%dma_wait3A_501 : memref<128xf32, #tpu.memory_space<vmem>>)
    %dma_wait3A_507 = arith.constant 2 : i32
    %dma_wait3A_508 = arith.constant 2 : i32
    %dma_wait3A_509 = arith.constant 0 : i32
    %dma_wait3A_510 = tpu.memref_slice %arg19[%dma_wait3A_508, %dma_wait3A_509] : memref<4x128xf32, #tpu.memory_space<vmem>> -> memref<1x128xf32, #tpu.memory_space<vmem>>
    %dma_wait3A_511 = tpu.memref_squeeze %dma_wait3A_510 : memref<1x128xf32, #tpu.memory_space<vmem>> -> memref<128xf32, #tpu.memory_space<vmem>>
    %dma_wait3A_512 = arith.constant 0 : i32
    %dma_wait3A_513 = tpu.memref_slice %arg16[%dma_wait3A_507, %dma_wait3A_512] : memref<4x128xi32, #tpu.memory_space<vmem>> -> memref<1x128xi32, #tpu.memory_space<vmem>>
    %dma_wait3A_514 = tpu.memref_squeeze %dma_wait3A_513 : memref<1x128xi32, #tpu.memory_space<vmem>> -> memref<128xi32, #tpu.memory_space<vmem>>
    %dma_wait3A_515 = arith.constant 0 : i32
    %dma_wait3A_516 = tpu.memref_slice %arg7[%dma_wait3A_515] : memref<1000000xf32, #tpu.memory_space<hbm>> -> memref<1000000xf32, #tpu.memory_space<hbm>>
    tpu.wait_indirect_dma semaphore(%arg22 : memref<!tpu.dma_semaphore, #tpu.memory_space<semaphore_mem>>) src(%dma_wait3A_516 : memref<1000000xf32, #tpu.memory_space<hbm>>) dst(%dma_wait3A_511 : memref<128xf32, #tpu.memory_space<vmem>>)
    %dma_wait3A_517 = arith.constant 2 : i32
    %dma_wait3A_518 = arith.constant 2 : i32
    %dma_wait3A_519 = arith.constant 0 : i32
    %dma_wait3A_520 = tpu.memref_slice %arg21[%dma_wait3A_518, %dma_wait3A_519] : memref<4x128xf32, #tpu.memory_space<vmem>> -> memref<1x128xf32, #tpu.memory_space<vmem>>
    %dma_wait3A_521 = tpu.memref_squeeze %dma_wait3A_520 : memref<1x128xf32, #tpu.memory_space<vmem>> -> memref<128xf32, #tpu.memory_space<vmem>>
    %dma_wait3A_522 = arith.constant 0 : i32
    %dma_wait3A_523 = tpu.memref_slice %arg17[%dma_wait3A_517, %dma_wait3A_522] : memref<4x128xi32, #tpu.memory_space<vmem>> -> memref<1x128xi32, #tpu.memory_space<vmem>>
    %dma_wait3A_524 = tpu.memref_squeeze %dma_wait3A_523 : memref<1x128xi32, #tpu.memory_space<vmem>> -> memref<128xi32, #tpu.memory_space<vmem>>
    %dma_wait3A_525 = arith.constant 0 : i32
    %dma_wait3A_526 = tpu.memref_slice %arg9[%dma_wait3A_525] : memref<1000000xf32, #tpu.memory_space<hbm>> -> memref<1000000xf32, #tpu.memory_space<hbm>>
    tpu.wait_indirect_dma semaphore(%arg22 : memref<!tpu.dma_semaphore, #tpu.memory_space<semaphore_mem>>) src(%dma_wait3A_526 : memref<1000000xf32, #tpu.memory_space<hbm>>) dst(%dma_wait3A_521 : memref<128xf32, #tpu.memory_space<vmem>>)
    %dma_wait3A_527 = arith.constant 3 : i32
    %dma_wait3A_528 = arith.constant 3 : i32
    %dma_wait3A_529 = arith.constant 0 : i32
    %dma_wait3A_530 = tpu.memref_slice %arg19[%dma_wait3A_528, %dma_wait3A_529] : memref<4x128xf32, #tpu.memory_space<vmem>> -> memref<1x128xf32, #tpu.memory_space<vmem>>
    %dma_wait3A_531 = tpu.memref_squeeze %dma_wait3A_530 : memref<1x128xf32, #tpu.memory_space<vmem>> -> memref<128xf32, #tpu.memory_space<vmem>>
    %dma_wait3A_532 = arith.constant 0 : i32
    %dma_wait3A_533 = tpu.memref_slice %arg16[%dma_wait3A_527, %dma_wait3A_532] : memref<4x128xi32, #tpu.memory_space<vmem>> -> memref<1x128xi32, #tpu.memory_space<vmem>>
    %dma_wait3A_534 = tpu.memref_squeeze %dma_wait3A_533 : memref<1x128xi32, #tpu.memory_space<vmem>> -> memref<128xi32, #tpu.memory_space<vmem>>
    %dma_wait3A_535 = arith.constant 0 : i32
    %dma_wait3A_536 = tpu.memref_slice %arg7[%dma_wait3A_535] : memref<1000000xf32, #tpu.memory_space<hbm>> -> memref<1000000xf32, #tpu.memory_space<hbm>>
    tpu.wait_indirect_dma semaphore(%arg22 : memref<!tpu.dma_semaphore, #tpu.memory_space<semaphore_mem>>) src(%dma_wait3A_536 : memref<1000000xf32, #tpu.memory_space<hbm>>) dst(%dma_wait3A_531 : memref<128xf32, #tpu.memory_space<vmem>>)
    %dma_wait3A_537 = arith.constant 3 : i32
    %dma_wait3A_538 = arith.constant 3 : i32
    %dma_wait3A_539 = arith.constant 0 : i32
    %dma_wait3A_540 = tpu.memref_slice %arg21[%dma_wait3A_538, %dma_wait3A_539] : memref<4x128xf32, #tpu.memory_space<vmem>> -> memref<1x128xf32, #tpu.memory_space<vmem>>
    %dma_wait3A_541 = tpu.memref_squeeze %dma_wait3A_540 : memref<1x128xf32, #tpu.memory_space<vmem>> -> memref<128xf32, #tpu.memory_space<vmem>>
    %dma_wait3A_542 = arith.constant 0 : i32
    %dma_wait3A_543 = tpu.memref_slice %arg17[%dma_wait3A_537, %dma_wait3A_542] : memref<4x128xi32, #tpu.memory_space<vmem>> -> memref<1x128xi32, #tpu.memory_space<vmem>>
    %dma_wait3A_544 = tpu.memref_squeeze %dma_wait3A_543 : memref<1x128xi32, #tpu.memory_space<vmem>> -> memref<128xi32, #tpu.memory_space<vmem>>
    %dma_wait3A_545 = arith.constant 0 : i32
    %dma_wait3A_546 = tpu.memref_slice %arg9[%dma_wait3A_545] : memref<1000000xf32, #tpu.memory_space<hbm>> -> memref<1000000xf32, #tpu.memory_space<hbm>>
    tpu.wait_indirect_dma semaphore(%arg22 : memref<!tpu.dma_semaphore, #tpu.memory_space<semaphore_mem>>) src(%dma_wait3A_546 : memref<1000000xf32, #tpu.memory_space<hbm>>) dst(%dma_wait3A_541 : memref<128xf32, #tpu.memory_space<vmem>>)
    %dma_start3A_547 = arith.constant 0 : i32
    %dma_start3A_548 = arith.constant 0 : i32
    %dma_start3A_549 = tpu.memref_slice %arg10[%mul3A_2, %dma_start3A_547, %dma_start3A_548] : memref<256x128x16xf32, #tpu.memory_space<hbm>> -> memref<8x128x16xf32, #tpu.memory_space<hbm>>
    %dma_start3A_550 = arith.constant 0 : i32
    %dma_start3A_551 = arith.constant 0 : i32
    %dma_start3A_552 = tpu.memref_slice %arg10[%mul3A_2, %dma_start3A_550, %dma_start3A_551] : memref<256x128x16xf32, #tpu.memory_space<hbm>> -> memref<8x128x16xf32, #tpu.memory_space<hbm>>
    tpu.enqueue_dma source(%arg18 : memref<8x128x16xf32, #tpu.memory_space<vmem>>) target(%dma_start3A_552 : memref<8x128x16xf32, #tpu.memory_space<hbm>>) target_semaphore(%arg23 : memref<!tpu.dma_semaphore, #tpu.memory_space<semaphore_mem>>)
    %dma_start3A_553 = arith.constant 0 : i32
    %dma_start3A_554 = arith.constant 0 : i32
    %dma_start3A_555 = tpu.memref_slice %arg12[%mul3A_2, %dma_start3A_553, %dma_start3A_554] : memref<256x128x16xf32, #tpu.memory_space<hbm>> -> memref<8x128x16xf32, #tpu.memory_space<hbm>>
    %dma_start3A_556 = arith.constant 0 : i32
    %dma_start3A_557 = arith.constant 0 : i32
    %dma_start3A_558 = tpu.memref_slice %arg12[%mul3A_2, %dma_start3A_556, %dma_start3A_557] : memref<256x128x16xf32, #tpu.memory_space<hbm>> -> memref<8x128x16xf32, #tpu.memory_space<hbm>>
    tpu.enqueue_dma source(%arg20 : memref<8x128x16xf32, #tpu.memory_space<vmem>>) target(%dma_start3A_558 : memref<8x128x16xf32, #tpu.memory_space<hbm>>) target_semaphore(%arg23 : memref<!tpu.dma_semaphore, #tpu.memory_space<semaphore_mem>>)
    %dma_start3A_559 = arith.constant 0 : i32
    %dma_start3A_560 = tpu.memref_slice %arg11[%mul3A_4, %dma_start3A_559] : memref<128x128xf32, #tpu.memory_space<hbm>> -> memref<4x128xf32, #tpu.memory_space<hbm>>
    %dma_start3A_561 = arith.constant 0 : i32
    %dma_start3A_562 = tpu.memref_slice %arg11[%mul3A_4, %dma_start3A_561] : memref<128x128xf32, #tpu.memory_space<hbm>> -> memref<4x128xf32, #tpu.memory_space<hbm>>
    tpu.enqueue_dma source(%arg19 : memref<4x128xf32, #tpu.memory_space<vmem>>) target(%dma_start3A_562 : memref<4x128xf32, #tpu.memory_space<hbm>>) target_semaphore(%arg23 : memref<!tpu.dma_semaphore, #tpu.memory_space<semaphore_mem>>)
    %dma_start3A_563 = arith.constant 0 : i32
    %dma_start3A_564 = tpu.memref_slice %arg13[%mul3A_4, %dma_start3A_563] : memref<128x128xf32, #tpu.memory_space<hbm>> -> memref<4x128xf32, #tpu.memory_space<hbm>>
    %dma_start3A_565 = arith.constant 0 : i32
    %dma_start3A_566 = tpu.memref_slice %arg13[%mul3A_4, %dma_start3A_565] : memref<128x128xf32, #tpu.memory_space<hbm>> -> memref<4x128xf32, #tpu.memory_space<hbm>>
    tpu.enqueue_dma source(%arg21 : memref<4x128xf32, #tpu.memory_space<vmem>>) target(%dma_start3A_566 : memref<4x128xf32, #tpu.memory_space<hbm>>) target_semaphore(%arg23 : memref<!tpu.dma_semaphore, #tpu.memory_space<semaphore_mem>>)
    %dma_wait3A_567 = arith.constant 0 : i32
    %dma_wait3A_568 = arith.constant 0 : i32
    %dma_wait3A_569 = tpu.memref_slice %arg10[%mul3A_2, %dma_wait3A_567, %dma_wait3A_568] : memref<256x128x16xf32, #tpu.memory_space<hbm>> -> memref<8x128x16xf32, #tpu.memory_space<hbm>>
    %dma_wait3A_570 = arith.constant 0 : i32
    %dma_wait3A_571 = arith.constant 0 : i32
    %dma_wait3A_572 = tpu.memref_slice %arg10[%mul3A_2, %dma_wait3A_570, %dma_wait3A_571] : memref<256x128x16xf32, #tpu.memory_space<hbm>> -> memref<8x128x16xf32, #tpu.memory_space<hbm>>
    tpu.wait_dma2 semaphore(%arg23 : memref<!tpu.dma_semaphore, #tpu.memory_space<semaphore_mem>>) src(%arg18 : memref<8x128x16xf32, #tpu.memory_space<vmem>>) dst(%dma_wait3A_572 : memref<8x128x16xf32, #tpu.memory_space<hbm>>)
    %dma_wait3A_573 = arith.constant 0 : i32
    %dma_wait3A_574 = arith.constant 0 : i32
    %dma_wait3A_575 = tpu.memref_slice %arg12[%mul3A_2, %dma_wait3A_573, %dma_wait3A_574] : memref<256x128x16xf32, #tpu.memory_space<hbm>> -> memref<8x128x16xf32, #tpu.memory_space<hbm>>
    %dma_wait3A_576 = arith.constant 0 : i32
    %dma_wait3A_577 = arith.constant 0 : i32
    %dma_wait3A_578 = tpu.memref_slice %arg12[%mul3A_2, %dma_wait3A_576, %dma_wait3A_577] : memref<256x128x16xf32, #tpu.memory_space<hbm>> -> memref<8x128x16xf32, #tpu.memory_space<hbm>>
    tpu.wait_dma2 semaphore(%arg23 : memref<!tpu.dma_semaphore, #tpu.memory_space<semaphore_mem>>) src(%arg20 : memref<8x128x16xf32, #tpu.memory_space<vmem>>) dst(%dma_wait3A_578 : memref<8x128x16xf32, #tpu.memory_space<hbm>>)
    %dma_wait3A_579 = arith.constant 0 : i32
    %dma_wait3A_580 = tpu.memref_slice %arg11[%mul3A_4, %dma_wait3A_579] : memref<128x128xf32, #tpu.memory_space<hbm>> -> memref<4x128xf32, #tpu.memory_space<hbm>>
    %dma_wait3A_581 = arith.constant 0 : i32
    %dma_wait3A_582 = tpu.memref_slice %arg11[%mul3A_4, %dma_wait3A_581] : memref<128x128xf32, #tpu.memory_space<hbm>> -> memref<4x128xf32, #tpu.memory_space<hbm>>
    tpu.wait_dma2 semaphore(%arg23 : memref<!tpu.dma_semaphore, #tpu.memory_space<semaphore_mem>>) src(%arg19 : memref<4x128xf32, #tpu.memory_space<vmem>>) dst(%dma_wait3A_582 : memref<4x128xf32, #tpu.memory_space<hbm>>)
    %dma_wait3A_583 = arith.constant 0 : i32
    %dma_wait3A_584 = tpu.memref_slice %arg13[%mul3A_4, %dma_wait3A_583] : memref<128x128xf32, #tpu.memory_space<hbm>> -> memref<4x128xf32, #tpu.memory_space<hbm>>
    %dma_wait3A_585 = arith.constant 0 : i32
    %dma_wait3A_586 = tpu.memref_slice %arg13[%mul3A_4, %dma_wait3A_585] : memref<128x128xf32, #tpu.memory_space<hbm>> -> memref<4x128xf32, #tpu.memory_space<hbm>>
    tpu.wait_dma2 semaphore(%arg23 : memref<!tpu.dma_semaphore, #tpu.memory_space<semaphore_mem>>) src(%arg21 : memref<4x128xf32, #tpu.memory_space<vmem>>) dst(%dma_wait3A_586 : memref<4x128xf32, #tpu.memory_space<hbm>>)
    return
  }
}

</mosaic_0001>

<sc_bundles>
// kernel: kernel.3.cloned.1.call-start
scs
__scs_entry_jumppad:
0x0: {  	(pc) =	sbr.rel $0x88, $3  }
0x1: {  	(tag) =	ssettag $0x0;
	lr =	simm.s32 $0x1  }
0x2: {  	[smem:$0x3F9B] =	sst lr;
	_ =	strace $0xD0000000  }
0x3: {  	_ = 	snop  }
0x4: {  	_ = 	snop  }
0x5: {  	_ = 	snop  }
0x6: {  	_ = 	snop  }
0x7: {  	_ = 	snop  }
__scs_overlays_trampoline_lowered:
0x8: {  	[smem:$0x3FAA] =	sst s0  }
0x9: {  	[smem:$0x3FAB] =	sst s1  }
0xa: {  	[smem:$0x3FAC] =	sst s2  }
0xb: {  	[smem:$0x3FAD] =	sst s3  }
0xc: {  	[smem:$0x3FAE] =	sst s4  }
0xd: {  	[smem:$0x3FAF] =	sst s5  }
0xe: {  	[smem:$0x3FB0] =	sst s6  }
0xf: {  	[smem:$0x3FB1] =	sst s7  }
0x10: {  	[smem:$0x3FB2] =	sst s8  }
0x11: {  	[smem:$0x3FB3] =	sst s9;
	s0 =	simm.s32 @!p0 $0x0  }
0x12: {  	s1 =	sld [smem:$0x3F99];
	s0 =	simm.s32 @p0 $0x1  }
0x13: {  	[smem:$0x3FB4] =	sst s0;
	s0 =	simm.s32 @!p1 $0x0  }
0x14: {  	s2 =	sld [smem:$0x3F98];
	s0 =	simm.s32 @p1 $0x1  }
0x15: {  	[smem:$0x3FB5] =	sst s0;
	s0 =	simm.s32 @!p2 $0x0  }
0x16: {  	s3 =	sld [smem:$0x3FDB];
	s0 =	simm.s32 @p2 $0x1  }
0x17: {  	s4 =	simm.s32 $0x1BF5;
	[smem:$0x3FB7] =	sst s0  }
0x18: {  	s0 =	sld [smem:$0x3F9A];
	_ =	swait.ge [sflag:s4], $0x0  }
0x19: {  	s7 =	sld [smem:$0x3F9B]  }
0x1a: {  	s8 =	sadd.s32 $0xFFFFE003, lr  }
0x1b: {  	s9 =	sadd.s32 $0xFFFFFEF7, lr;
	s5 =	simm.s32 $0xFFFFFFFF;
	p2 =	slt.u32 s8, $0xFFFFF086  }
0x1c: {  	p1 =	slt.u32 s9, $0xF7A;
	s5 =	simm.s32 @!p2 $0x0  }
0x1d: {  	s5 =	simm.s32 @p1 $0x1;
	p0 =	seq.s32 s7, s2  }
0x1e: {  	s7 =	smul.u32 @!p0 $0xF7A, s2;
	p2 =	seq.s32 @!p0 s5, $0x0  }
0x1f: {  	s9 =	smul.u32 $0xF7A, s1;
	s8 =	simm.s32 @!p0 $0x1BF5;
	p2 =	por !p2, p0  }
0x20: {  	[sflag:s8] =	ssyncset.s32 @!p0 $0xFFFFF086;
	s6 =	sadd.s32 @!p0 s3, s7;
	s7 =	simm.s32 @!p0 $0x108  }
0x21: {  	s3 =	sadd.s32 s3, s9;
	s6 =	sadd.s32 @!p0 $0x88, s6;
	s7 =	simm.s32 @p2 $0x1082  }
0x22: {  	[simem:s7], [sflag:s8] =	dma.local @!p0 [hbm:s6], $0xF7A  }
0x23: {  	s9 =	sor.u32 $0xD0000000, s2;
	s6 =	simm.s32 $0x108;
	_ =	swait.ge @!p0 [sflag:s8], $0x0  }
0x24: {  	s3 =	sadd.s32 $0x88, s3;
	s6 =	simm.s32 @!p1 $0x1082;
	[sflag:s4] =	ssyncset.s32 $0xFFFFF086  }
0x25: {  	[simem:s6], [sflag:s4] =	dma.local [hbm:s3], $0xF7A  }
0x26: {  	[smem:$0x3F9B] =	sst s1;
	(tag) =	ssettag s2;
	_ =	strace s9  }
0x27: {  	s1 =	sld [smem:$0x3FAB]  }
0x28: {  	s2 =	sld [smem:$0x3FAC]  }
0x29: {  	s4 =	sld [smem:$0x3FAE]  }
0x2a: {  	p0 =	seq.s32 s5, $0x0;
	s5 =	sld [smem:$0x3FAF]  }
0x2b: {  	s6 =	sld [smem:$0x3FB0]  }
0x2c: {  	s7 =	sld [smem:$0x3FB1]  }
0x2d: {  	s3 =	simm.s32 $0x108;
	s8 =	sld [smem:$0x3FB2]  }
0x2e: {  	s3 =	simm.s32 @!p0 $0x1082;
	s9 =	sld [smem:$0x3FB3]  }
0x2f: {  	lr =	sadd.s32 s0, s3;
	s0 =	sld [smem:$0x3FAA]  }
0x30: {  	s3 =	sld [smem:$0x3FAD]  }
0x31: {  	[smem:$0x3FB6] =	sst s10  }
0x32: {  	s10 =	sld [smem:$0x3FB4];
	_ =	sdelay $0x3  }
0x33: {  	p0 =	seq.s32 s10, $0x1;
	s10 =	sld [smem:$0x3FB6];
	_ =	sdelay $0x3  }
0x34: {  	[smem:$0x3FB6] =	sst s10  }
0x35: {  	s10 =	sld [smem:$0x3FB5];
	_ =	sdelay $0x3  }
0x36: {  	p1 =	seq.s32 s10, $0x1;
	s10 =	sld [smem:$0x3FB6];
	_ =	sdelay $0x3  }
0x37: {  	[smem:$0x3FB6] =	sst s10  }
0x38: {  	s10 =	sld [smem:$0x3FB7]  }
0x39: {  	_ = 	snop;
	(pc) =	sbr.ind lr, $3  }
0x3a: {  	_ = 	snop  }
0x3b: {  	_ = 	snop  }
0x3c: {  	p2 =	seq.s32 s10, $0x1;
	s10 =	sld [smem:$0x3FB6]  }
0x3d: {  	_ =	shalt  }
0x3e: {  	_ =	shalt  }
0x3f: {  	_ =	shalt  }
0x40: {  	_ =	shalt  }
0x41: {  	_ =	shalt  }
0x42: {  	_ =	shalt  }
0x43: {  	_ =	shalt  }
0x44: {  	_ =	shalt  }
0x45: {  	_ =	shalt  }
0x46: {  	_ =	shalt  }
0x47: {  	_ =	shalt  }
0x48: {  	_ =	shalt  }
0x49: {  	_ =	shalt  }
0x4a: {  	_ =	shalt  }
0x4b: {  	_ =	shalt  }
0x4c: {  	_ =	shalt  }
0x4d: {  	_ =	shalt  }
0x4e: {  	_ =	shalt  }
0x4f: {  	_ =	shalt  }
0x50: {  	_ =	shalt  }
0x51: {  	_ =	shalt  }
0x52: {  	_ =	shalt  }
0x53: {  	_ =	shalt  }
0x54: {  	_ =	shalt  }
0x55: {  	_ =	shalt  }
0x56: {  	_ =	shalt  }
0x57: {  	_ =	shalt  }
0x58: {  	_ =	shalt  }
0x59: {  	_ =	shalt  }
0x5a: {  	_ =	shalt  }
0x5b: {  	_ =	shalt  }
0x5c: {  	_ =	shalt  }
0x5d: {  	_ =	shalt  }
0x5e: {  	_ =	shalt  }
0x5f: {  	_ =	shalt  }
0x60: {  	_ =	shalt  }
0x61: {  	_ =	shalt  }
0x62: {  	_ =	shalt  }
0x63: {  	_ =	shalt  }
0x64: {  	_ =	shalt  }
0x65: {  	_ =	shalt  }
0x66: {  	_ =	shalt  }
0x67: {  	_ =	shalt  }
0x68: {  	_ =	shalt  }
0x69: {  	_ =	shalt  }
0x6a: {  	_ =	shalt  }
0x6b: {  	_ =	shalt  }
0x6c: {  	_ =	shalt  }
0x6d: {  	_ =	shalt  }
0x6e: {  	_ =	shalt  }
0x6f: {  	_ =	shalt  }
0x70: {  	_ =	shalt  }
0x71: {  	_ =	shalt  }
0x72: {  	_ =	shalt  }
0x73: {  	_ =	shalt  }
0x74: {  	_ =	shalt  }
0x75: {  	_ =	shalt  }
0x76: {  	_ =	shalt  }
0x77: {  	_ =	shalt  }
0x78: {  	_ =	shalt  }
0x79: {  	_ =	shalt  }
0x7a: {  	_ =	shalt  }
0x7b: {  	_ =	shalt  }
0x7c: {  	_ =	shalt  }
0x7d: {  	_ =	shalt  }
0x7e: {  	_ =	shalt  }
0x7f: {  	_ =	shalt  }
0x80: {  	_ =	shalt  }
0x81: {  	_ =	shalt  }
0x82: {  	_ =	shalt  }
0x83: {  	_ =	shalt  }
0x84: {  	_ =	shalt  }
0x85: {  	_ =	shalt  }
0x86: {  	_ =	shalt  }
0x87: {  	_ =	shalt  }
.Lfunc_end0:
.L_simem_size_0:
called_computation_lowered:
.L_overlay_start_0:
0x88: {  	s2 =	sld [smem:$0x3FD9]  }
0x89: {  	s3 =	sld [smem:$0x3FFE];
	_ =	sdelay $0x1  }
0x8a: {  	s1 =	srdreg.scid  }
0x8b: {  	s0 =	sand.u32 $0x1, s1  }
0x8c: {  	s14 =	sshll.u32 s0, $0xA;
	s2 =	sadd.s32 s3, s2  }
0x8d: {  	s2 =	sadd.s32 s2, s14  }
0x8e: {  	[smem:$0x3FC2] =	sst s2  }
0x8f: {  	_ = 	snop  }
0x90: {  	s2 =	sld [smem:$0x3FD0];
	_ =	sdelay $0x1  }
0x91: {  	s15 =	sld [smem:$0x3FC9]  }
0x92: {  	s5 =	simm.s32 $0xA;
	s6 =	simm.s32 $0x10;
	s4 =	sld [smem:$0x3FC8]  }
0x93: {  	[smem:s6], [sflag:s5] =	dma.local [hbm:s2], $0x1  }
0x94: {  	_ =	swait.eq [sflag:s5], $0x1  }
0x95: {  	s16 =	sld [smem:$0x10]  }
0x96: {  	s17 =	sld [smem:$0x11];
	[sflag:s5] =	ssyncset.done $0x0  }
0x97: {  	s7 =	sld [smem:$0x12];
	[sflag:s5] =	ssyncadd.s32 $0xFFFFFFFF  }
0x98: {  	s18 =	sld [smem:$0x13];
	(tm) =	ssettm $0x1  }
0x99: {  	s8 =	sld [smem:$0x3FFB];
	_ =	sdelay $0x3  }
0x9a: {  	_ =	strace s8  }
0x9b: {  	s8 =	sld [smem:$0x3FFC];
	_ =	sdelay $0x3  }
0x9c: {  	_ =	strace s8  }
0x9d: {  	s8 =	sld [smem:$0x3FFD];
	_ =	sdelay $0x3  }
0x9e: {  	_ =	strace s8  }
0x9f: {  	_ =	strace $0x8FFFFFFF  }
0xa0: {  	s19 =	sld [smem:$0x3FDB];
	_ =	sdelay $0x1  }
0xa1: {  	s9 =	simm.s32 $_scs_section_size  }
0xa2: {  	s10 =	simm.s32 $_size__tile_overlayer_lowered;
	s11 =	simm.s32 $_tile_overlayer_lowered  }
0xa3: {  	s22 =	simm.s32 $0x1BFF;
	s21 =	sshll.u32 s11, $0x1;
	s8 =	sadd.s32 s9, s19  }
0xa4: {  	s12 =	simm.s32 $0x0;
	s20 =	sshll.u32 s10, $0x1;
	s10 =	sadd.s32 s21, s8  }
0xa5: {  	[timem:s12], [sflag:s22] =	dma.local [hbm:s10], s20  }
0xa6: {  	_ =	swait.ge [sflag:s22], s20  }
0xa7: {  	s9 =	ssub.s32 $0x0, s20;
	[sflag:s22] =	ssyncset.done $0x0  }
0xa8: {  	[sflag:s22] =	ssyncadd.s32 s9;
	_ =	sdelay $0x1  }
0xa9: {  	s23 =	simm.s32 $0x1B8B  }
0xaa: {  	_ =	swait.ge [sflag:s23], $0x1  }
0xab: {  	[sflag:s23] =	ssyncset.done $0x0  }
0xac: {  	s25 =	simm.s32 $0x1B8E;
	s24 =	sld [smem:$0x3FFE];
	[sflag:s23] =	ssyncadd.s32 $0xFFFFFFFF  }
0xad: {  	s26 =	simm.s32 $execute0_lowered;
	[smem:$0x3FD2] =	sst s25  }
0xae: {  	s10 =	sshll.u32 s26, $0x1;
	_ =	strace $0x80000046;
	[dreg:$0x1] =	wrdreg $0xFFFFFFFF  }
0xaf: {  	s28 =	simm.s32 $_size_execute0_lowered;
	s8 =	sadd.s32 s8, s10;
	[dreg:$0x0] =	wrdreg $0x0  }
0xb0: {  	s10 =	sshll.u32 s28, $0x1;
	[dreg:$0x2] =	wrdreg s8  }
0xb1: {  	[dreg:$0x3] =	wrdreg s10  }
0xb2: {  	[dreg:$0x4] =	wrdreg $0xC0  }
0xb3: {  	_ =	task [dreg:s12], $0x5FFFF  }
0xb4: {  	[dreg:$0x1] =	wrdreg $0xFFFFFFFF  }
0xb5: {  	[dreg:$0x0] =	wrdreg $0x60  }
0xb6: {  	[dreg:$0x2] =	wrdreg s24  }
0xb7: {  	[dreg:$0x3] =	wrdreg s16  }
0xb8: {  	[dreg:$0x4] =	wrdreg s15  }
0xb9: {  	[dreg:$0x5] =	wrdreg s4  }
0xba: {  	[dreg:$0x6] =	wrdreg s7  }
0xbb: {  	[dreg:$0x7] =	wrdreg s17  }
0xbc: {  	[dreg:$0x8] =	wrdreg s18  }
0xbd: {  	[dreg:$0x9] =	wrdreg $0x9  }
0xbe: {  	_ =	task.clear_ibuf [dreg:s12], $0xAFFFF;
	_ =	strace $0x90000046  }
0xbf: {  	s29 =	simm.s32 $0x9;
	_ =	strace $0x80000048  }
0xc0: {  	_ =	swait.ge [sflag:s29], $0x1  }
0xc1: {  	[sflag:s29] =	ssyncadd.s32 $0xFFFFFFFF  }
0xc2: {  	_ =	strace $0x90000048  }
0xc3: {  	_ =	sfence  }
0xc4: {  	s30 =	sld [smem:$0x0];
	_ =	sdelay $0x2  }
0xc5: {  	s31 =	sshll.u32 s1, $0xD;
	s1 =	sshrl.u32 s1, $0x2  }
0xc6: {  	s3 =	sand.u32 $0x4000, s31;
	s1 =	sadd.s32 s1, s30  }
0xc7: {  	s0 =	sor.u32 s3, s0;
	s1 =	sshll.u32 s1, $0x11  }
0xc8: {  	s0 =	sor.u32 s1, s0  }
0xc9: {  	s0 =	sadd.s32 $0x8F2B, s0  }
0xca: {  	[sflag:s0] =	ssyncadd.remote.s32 $0x1  }
0xcb: {  	_ =	sfence.sel $0xFFFF  }
0xcc: {  	[dreg:$0x0] =	wrdreg $0xFFFFFFFF;
	(pc) =	sbr.abs _section_cstart, $3  }
0xcd: {  	[dreg:$0x1] =	wrdreg $0xFFFFFFFF  }
0xce: {  	_ =	task.clear_ibuf [dreg:s12], $0x2FFFF;
	_ =	strace $0x9FFFFFFF  }
0xcf: {  	(tm) =	ssettm $0x7FFFFFFF  }
tec
execute0_lowered:
.L_overlay_start_1:
0x0: {  	(tag) =	ssettag $0x1  }
0x1: {  	s15 =	rddreg [dreg:$0x0]  }
0x2: {  	s0 =	rddreg [dreg:$0x1]  }
0x3: {  	s3 =	rddreg [dreg:$0x2]  }
0x4: {  	s4 =	rddreg [dreg:$0x3]  }
0x5: {  	s5 =	rddreg [dreg:$0x4]  }
0x6: {  	s1 =	srdreg.scid;
	s2 =	stileid.u32  }
0x7: {  	s6 =	rddreg [dreg:$0x5];
	s1 =	sand.u32 $0x1, s1;
	s2 =	sshll.u32 s2, $0x1  }
0x8: {  	s7 =	rddreg [dreg:$0x6];
	s8 =	sor.u32 s1, s2;
	s2 =	simm.s32 $0x0  }
0x9: {  	s19 =	simm.s32 $0x1400;
	[smem:$0x7FF] =	sst s2  }
0xa: {  	s20 =	simm.s32 $0x480;
	_ =	strace $0x80000047;
	[dreg:$0x10] =	wrdreg s19  }
0xb: {  	s21 =	simm.s32 $0x5600;
	[dreg:$0x11] =	wrdreg s20  }
0xc: {  	s22 =	simm.s32 $0x100;
	[dreg:$0x12] =	wrdreg s21  }
0xd: {  	s23 =	simm.s32 $0x1C00;
	[dreg:$0x13] =	wrdreg s22  }
0xe: {  	s24 =	simm.s32 $0x500;
	[dreg:$0x14] =	wrdreg s23  }
0xf: {  	s25 =	simm.s32 $0x5E00;
	[dreg:$0x15] =	wrdreg s24  }
0x10: {  	s26 =	simm.s32 $0x180;
	s28 =	simm.s32 $0x2400;
	[dreg:$0x16] =	wrdreg s25  }
0x11: {  	s9 =	sshll.u32 s8, $0x7;
	s29 =	sshll.u32 s8, $0x6;
	[dreg:$0x17] =	wrdreg s26  }
0x12: {  	s11 =	sshll.u32 s8, $0xB;
	s8 =	simm.s32 $0x280;
	[dreg:$0x18] =	wrdreg s28  }
0x13: {  	s0 =	sadd.s32 s0, s9;
	[dreg:$0x1f] =	wrdreg s8  }
0x14: {  	s12 =	sadd.s32 s4, s29;
	[dreg:$0x9] =	wrdreg s0  }
0x15: {  	s14 =	sadd.s32 s5, s11;
	[dreg:$0xb] =	wrdreg s12  }
0x16: {  	s17 =	sadd.s32 s6, s29;
	[dreg:$0xc] =	wrdreg s14  }
0x17: {  	s18 =	sadd.s32 s7, s29;
	[dreg:$0xe] =	wrdreg s17  }
0x18: {  	s4 =	simm.s32 $0x200;
	[dreg:$0xf] =	wrdreg s18  }
0x19: {  	s5 =	simm.s32 $0x2C00;
	[dreg:$0x1b] =	wrdreg s4  }
0x1a: {  	s6 =	simm.s32 $0x600;
	[dreg:$0x1c] =	wrdreg s5  }
0x1b: {  	s7 =	simm.s32 $0x6E00;
	[dreg:$0x1d] =	wrdreg s6  }
0x1c: {  	s10 =	sadd.s32 s9, s15;
	s9 =	simm.s32 $0x3400;
	[dreg:$0x1e] =	wrdreg s7  }
0x1d: {  	s13 =	sadd.s32 s11, s15;
	s11 =	simm.s32 $0x7600;
	[smem:$0x7F8] =	sst s9  }
0x1e: {  	s20 =	simm.s32 $0x780;
	[smem:$0x7F7] =	sst s11  }
0x1f: {  	s10 =	sadd.s32 $0x3E000, s10;
	[smem:$0x7FD] =	sst s20  }
0x20: {  	s16 =	sadd.s32 $0x3F000, s13;
	[dreg:$0x8] =	wrdreg s10  }
0x21: {  	s12 =	simm.s32 $0x300;
	[dreg:$0xd] =	wrdreg s16  }
0x22: {  	s13 =	simm.s32 $0x3C00;
	[smem:$0x7FA] =	sst s12  }
0x23: {  	s14 =	simm.s32 $0x700;
	[smem:$0x7F6] =	sst s13  }
0x24: {  	s17 =	simm.s32 $0x380;
	[smem:$0x7FB] =	sst s14  }
0x25: {  	s18 =	simm.s32 $0x4400;
	[smem:$0x7FC] =	sst s17  }
0x26: {  	s10 =	sadd.s32 s3, s29;
	[smem:$0x7F4] =	sst s18  }
0x27: {  	s29 =	simm.s32 $0x580;
	[dreg:$0xa] =	wrdreg s10  }
0x28: {  	s3 =	simm.s32 $0x6600;
	[dreg:$0x19] =	wrdreg s29  }
0x29: {  	s16 =	simm.s32 $0x7E00;
	[dreg:$0x1a] =	wrdreg s3  }
0x2a: {  	[smem:$0x7F5] =	sst s16  }
0x2b: {  	s10 =	simm.s32 $0x680;
	s19 =	rddreg [dreg:$0x8]  }
0x2c: {  	s3 =	simm.s32 $0x3;
	[smem:$0x7F9] =	sst s10  }
0x2d: {  	[tilespmem:s2], [sflag:$0x3] =	stream.linear.gather [hbm4b:s19+s2], $0x400, $0x38;
	[tilespmem:$0x9000] =	vst v63  }
0x2e: {  	_ =	swait.ge [sflag:s3], $0x400  }
0x2f: {  	[sflag:s3] =	ssyncset.done $0x0  }
0x30: {  	s4 =	simm.s32 $0x400;
	s21 =	rddreg [dreg:$0x9];
	[sflag:s3] =	ssyncadd.s32 $0xFFFFFC00  }
0x31: {  	[tilespmem:s4], [sflag:$0x3] =	stream.linear.gather [hbm4b:s21+s2], $0x400, $0x38;
	[tilespmem:$0x9000] =	vst v63  }
0x32: {  	_ =	swait.ge [sflag:s3], $0x400  }
0x33: {  	[sflag:s3] =	ssyncset.done $0x0  }
0x34: {  	s5 =	simm.s32 $0x800;
	s22 =	rddreg [dreg:$0xa];
	[sflag:s3] =	ssyncadd.s32 $0xFFFFFC00  }
0x35: {  	[tilespmem:s5], [sflag:$0x3] =	stream.linear.gather [hbm4b:s22+s2], $0x200, $0x38;
	[tilespmem:$0x9000] =	vst v63  }
0x36: {  	_ =	swait.ge [sflag:s3], $0x200  }
0x37: {  	[sflag:s3] =	ssyncset.done $0x0  }
0x38: {  	s6 =	simm.s32 $0xA00;
	s23 =	rddreg [dreg:$0xb];
	[sflag:s3] =	ssyncadd.s32 $0xFFFFFE00  }
0x39: {  	[tilespmem:s6], [sflag:$0x3] =	stream.linear.gather [hbm4b:s23+s2], $0x200, $0x38;
	[tilespmem:$0x9000] =	vst v63  }
0x3a: {  	_ =	swait.ge [sflag:s3], $0x200  }
0x3b: {  	s0 =	sld [smem:$0x7F4]  }
0x3c: {  	s12 =	sld [smem:$0x7F5]  }
0x3d: {  	s13 =	sld [smem:$0x7F6]  }
0x3e: {  	s14 =	sld [smem:$0x7F7]  }
0x3f: {  	s16 =	sld [smem:$0x7F8]  }
0x40: {  	s17 =	rddreg [dreg:$0x1e]  }
0x41: {  	s18 =	rddreg [dreg:$0x1c]  }
0x42: {  	s19 =	rddreg [dreg:$0x1a]  }
0x43: {  	s20 =	rddreg [dreg:$0x10]  }
0x44: {  	s8 =	simm.s32 $0x80;
	s21 =	rddreg [dreg:$0x12]  }
0x45: {  	s7 =	sadd.s32 $0x1313A00, s15;
	[sflag:s3] =	ssyncset.done $0x0;
	s22 =	rddreg [dreg:$0x14]  }
0x46: {  	s9 =	simm.s32 $0xC00;
	s23 =	rddreg [dreg:$0x11];
	[sflag:s3] =	ssyncadd.s32 $0xFFFFFE00  }
0x47: {  	[tilespmem:s9], [sflag:$0x1] =	stream.indirect.gather [hbm4b:s7+s8], $0x10, s2, s8, $0xb8;
	[tilespmem:$0x9000] =	vst v63  }
0x48: {  	s11 =	simm.s32 $0x4E00;
	s10 =	sadd.s32 $0xF43000, s15;
	s24 =	rddreg [dreg:$0x13]  }
0x49: {  	[tilespmem:s11], [sflag:$0x1] =	stream.indirect.gather [hbm4b:s10+s8], $0x10, s4, s8, $0xb8;
	[tilespmem:$0x9000] =	vst v63  }
0x4a: {  	s25 =	rddreg [dreg:$0x16]  }
0x4b: {  	[tilespmem:s20], [sflag:$0x1] =	stream.indirect.gather [hbm4b:s7+s8], $0x10, s8, s8, $0xb8;
	[tilespmem:$0x9000] =	vst v63  }
0x4c: {  	s26 =	rddreg [dreg:$0x15]  }
0x4d: {  	[tilespmem:s21], [sflag:$0x1] =	stream.indirect.gather [hbm4b:s10+s8], $0x10, s23, s8, $0xb8;
	[tilespmem:$0x9000] =	vst v63  }
0x4e: {  	s28 =	rddreg [dreg:$0x18]  }
0x4f: {  	[tilespmem:s22], [sflag:$0x1] =	stream.indirect.gather [hbm4b:s7+s8], $0x10, s24, s8, $0xb8;
	[tilespmem:$0x9000] =	vst v63  }
0x50: {  	s29 =	rddreg [dreg:$0x17]  }
0x51: {  	[tilespmem:s25], [sflag:$0x1] =	stream.indirect.gather [hbm4b:s10+s8], $0x10, s26, s8, $0xb8;
	[tilespmem:$0x9000] =	vst v63  }
0x52: {  	s24 =	rddreg [dreg:$0x19]  }
0x53: {  	[tilespmem:s28], [sflag:$0x1] =	stream.indirect.gather [hbm4b:s7+s8], $0x10, s29, s8, $0xb8;
	[tilespmem:$0x9000] =	vst v63  }
0x54: {  	s25 =	rddreg [dreg:$0x1b]  }
0x55: {  	[tilespmem:s19], [sflag:$0x1] =	stream.indirect.gather [hbm4b:s10+s8], $0x10, s24, s8, $0xb8;
	[tilespmem:$0x9000] =	vst v63  }
0x56: {  	s26 =	rddreg [dreg:$0x1d]  }
0x57: {  	[tilespmem:s18], [sflag:$0x1] =	stream.indirect.gather [hbm4b:s7+s8], $0x10, s25, s8, $0xb8;
	[tilespmem:$0x9000] =	vst v63  }
0x58: {  	s28 =	rddreg [dreg:$0x1f]  }
0x59: {  	[tilespmem:s17], [sflag:$0x1] =	stream.indirect.gather [hbm4b:s10+s8], $0x10, s26, s8, $0xb8;
	[tilespmem:$0x9000] =	vst v63  }
0x5a: {  	s29 =	sld [smem:$0x7F9]  }
0x5b: {  	[tilespmem:s16], [sflag:$0x1] =	stream.indirect.gather [hbm4b:s7+s8], $0x10, s28, s8, $0xb8;
	[tilespmem:$0x9000] =	vst v63  }
0x5c: {  	s18 =	sld [smem:$0x7FA]  }
0x5d: {  	[tilespmem:s14], [sflag:$0x1] =	stream.indirect.gather [hbm4b:s10+s8], $0x10, s29, s8, $0xb8;
	[tilespmem:$0x9000] =	vst v63  }
0x5e: {  	s19 =	sld [smem:$0x7FB]  }
0x5f: {  	[tilespmem:s13], [sflag:$0x1] =	stream.indirect.gather [hbm4b:s7+s8], $0x10, s18, s8, $0xb8;
	[tilespmem:$0x9000] =	vst v63  }
0x60: {  	s20 =	sld [smem:$0x7FC]  }
0x61: {  	[tilespmem:s12], [sflag:$0x1] =	stream.indirect.gather [hbm4b:s10+s8], $0x10, s19, s8, $0xb8;
	[tilespmem:$0x9000] =	vst v63  }
0x62: {  	s21 =	sld [smem:$0x7FD]  }
0x63: {  	[tilespmem:s0], [sflag:$0x1] =	stream.indirect.gather [hbm4b:s7+s8], $0x10, s20, s8, $0xb8;
	[tilespmem:$0x9000] =	vst v63  }
0x64: {  	s22 =	simm.s32 $0x8600  }
0x65: {  	[tilespmem:s22], [sflag:$0x1] =	stream.indirect.gather [hbm4b:s10+s8], $0x10, s21, s8, $0xb8;
	[tilespmem:$0x9000] =	vst v63  }
0x66: {  	s14 =	simm.s32 $0x4C00;
	s13 =	sadd.s32 $0x1F600, s15  }
0x67: {  	[tilespmem:s14], [sflag:$0x1] =	stream.indirect.gather [hbm4b:s13+s8], $0x1, s5, s8, $0xb8;
	[tilespmem:$0x9000] =	vst v63  }
0x68: {  	s16 =	simm.s32 $0x8E00;
	s15 =	sadd.s32 $0xC00, s15  }
0x69: {  	[tilespmem:s16], [sflag:$0x1] =	stream.indirect.gather [hbm4b:s15+s8], $0x1, s6, s8, $0xb8;
	[tilespmem:$0x9000] =	vst v63  }
0x6a: {  	s23 =	simm.s32 $0x880;
	s24 =	simm.s32 $0x4C80  }
0x6b: {  	[tilespmem:s24], [sflag:$0x1] =	stream.indirect.gather [hbm4b:s13+s8], $0x1, s23, s8, $0xb8;
	[tilespmem:$0x9000] =	vst v63  }
0x6c: {  	s25 =	simm.s32 $0xA80;
	s26 =	simm.s32 $0x8E80  }
0x6d: {  	[tilespmem:s26], [sflag:$0x1] =	stream.indirect.gather [hbm4b:s15+s8], $0x1, s25, s8, $0xb8;
	[tilespmem:$0x9000] =	vst v63  }
0x6e: {  	s28 =	simm.s32 $0x900;
	s29 =	simm.s32 $0x4D00  }
0x6f: {  	[tilespmem:s29], [sflag:$0x1] =	stream.indirect.gather [hbm4b:s13+s8], $0x1, s28, s8, $0xb8;
	[tilespmem:$0x9000] =	vst v63  }
0x70: {  	s17 =	simm.s32 $0xB00;
	s18 =	simm.s32 $0x8F00  }
0x71: {  	[tilespmem:s18], [sflag:$0x1] =	stream.indirect.gather [hbm4b:s15+s8], $0x1, s17, s8, $0xb8;
	[tilespmem:$0x9000] =	vst v63  }
0x72: {  	s19 =	simm.s32 $0x980;
	s20 =	simm.s32 $0x4D80  }
0x73: {  	[tilespmem:s20], [sflag:$0x1] =	stream.indirect.gather [hbm4b:s13+s8], $0x1, s19, s8, $0xb8;
	[tilespmem:$0x9000] =	vst v63  }
0x74: {  	s30 =	simm.s32 $0x1;
	s21 =	simm.s32 $0xB80;
	s22 =	simm.s32 $0x8F80  }
0x75: {  	[tilespmem:s22], [sflag:$0x1] =	stream.indirect.gather [hbm4b:s15+s8], $0x1, s21, s8, $0xb8;
	[tilespmem:$0x9000] =	vst v63  }
0x76: {  	_ =	swait.ge [sflag:s30], $0x800  }
0x77: {  	[sflag:s30] =	ssyncset.done $0x0  }
0x78: {  	[sflag:s30] =	ssyncadd.s32 $0xFFFFF800  }
0x79: {  	_ =	swait.ge [sflag:s30], $0x800  }
0x7a: {  	[sflag:s30] =	ssyncset.done $0x0  }
0x7b: {  	[sflag:s30] =	ssyncadd.s32 $0xFFFFF800  }
0x7c: {  	_ =	swait.ge [sflag:s30], $0x800  }
0x7d: {  	[sflag:s30] =	ssyncset.done $0x0  }
0x7e: {  	[sflag:s30] =	ssyncadd.s32 $0xFFFFF800  }
0x7f: {  	_ =	swait.ge [sflag:s30], $0x800  }
0x80: {  	[sflag:s30] =	ssyncset.done $0x0  }
0x81: {  	[sflag:s30] =	ssyncadd.s32 $0xFFFFF800  }
0x82: {  	_ =	swait.ge [sflag:s30], $0x800  }
0x83: {  	[sflag:s30] =	ssyncset.done $0x0  }
0x84: {  	[sflag:s30] =	ssyncadd.s32 $0xFFFFF800  }
0x85: {  	_ =	swait.ge [sflag:s30], $0x800  }
0x86: {  	[sflag:s30] =	ssyncset.done $0x0  }
0x87: {  	[sflag:s30] =	ssyncadd.s32 $0xFFFFF800  }
0x88: {  	_ =	swait.ge [sflag:s30], $0x800  }
0x89: {  	[sflag:s30] =	ssyncset.done $0x0  }
0x8a: {  	[sflag:s30] =	ssyncadd.s32 $0xFFFFF800  }
0x8b: {  	_ =	swait.ge [sflag:s30], $0x800  }
0x8c: {  	[sflag:s30] =	ssyncset.done $0x0  }
0x8d: {  	[sflag:s30] =	ssyncadd.s32 $0xFFFFF800  }
0x8e: {  	_ =	swait.ge [sflag:s30], $0x800  }
0x8f: {  	[sflag:s30] =	ssyncset.done $0x0  }
0x90: {  	[sflag:s30] =	ssyncadd.s32 $0xFFFFF800  }
0x91: {  	_ =	swait.ge [sflag:s30], $0x800  }
0x92: {  	[sflag:s30] =	ssyncset.done $0x0  }
0x93: {  	[sflag:s30] =	ssyncadd.s32 $0xFFFFF800  }
0x94: {  	_ =	swait.ge [sflag:s30], $0x800  }
0x95: {  	[sflag:s30] =	ssyncset.done $0x0  }
0x96: {  	[sflag:s30] =	ssyncadd.s32 $0xFFFFF800  }
0x97: {  	_ =	swait.ge [sflag:s30], $0x800  }
0x98: {  	[sflag:s30] =	ssyncset.done $0x0  }
0x99: {  	[sflag:s30] =	ssyncadd.s32 $0xFFFFF800  }
0x9a: {  	_ =	swait.ge [sflag:s30], $0x800  }
0x9b: {  	[sflag:s30] =	ssyncset.done $0x0  }
0x9c: {  	[sflag:s30] =	ssyncadd.s32 $0xFFFFF800  }
0x9d: {  	_ =	swait.ge [sflag:s30], $0x800  }
0x9e: {  	[sflag:s30] =	ssyncset.done $0x0  }
0x9f: {  	[sflag:s30] =	ssyncadd.s32 $0xFFFFF800  }
0xa0: {  	_ =	swait.ge [sflag:s30], $0x800  }
0xa1: {  	[sflag:s30] =	ssyncset.done $0x0  }
0xa2: {  	[sflag:s30] =	ssyncadd.s32 $0xFFFFF800  }
0xa3: {  	_ =	swait.ge [sflag:s30], $0x800  }
0xa4: {  	[sflag:s30] =	ssyncset.done $0x0  }
0xa5: {  	[sflag:s30] =	ssyncadd.s32 $0xFFFFF800  }
0xa6: {  	_ =	swait.ge [sflag:s30], $0x80  }
0xa7: {  	[sflag:s30] =	ssyncset.done $0x0  }
0xa8: {  	[sflag:s30] =	ssyncadd.s32 $0xFFFFFF80  }
0xa9: {  	_ =	swait.ge [sflag:s30], $0x80  }
0xaa: {  	[sflag:s30] =	ssyncset.done $0x0  }
0xab: {  	[sflag:s30] =	ssyncadd.s32 $0xFFFFFF80  }
0xac: {  	_ =	swait.ge [sflag:s30], $0x80  }
0xad: {  	[sflag:s30] =	ssyncset.done $0x0  }
0xae: {  	[sflag:s30] =	ssyncadd.s32 $0xFFFFFF80  }
0xaf: {  	_ =	swait.ge [sflag:s30], $0x80  }
0xb0: {  	[sflag:s30] =	ssyncset.done $0x0  }
0xb1: {  	[sflag:s30] =	ssyncadd.s32 $0xFFFFFF80  }
0xb2: {  	_ =	swait.ge [sflag:s30], $0x80  }
0xb3: {  	[sflag:s30] =	ssyncset.done $0x0  }
0xb4: {  	[sflag:s30] =	ssyncadd.s32 $0xFFFFFF80  }
0xb5: {  	_ =	swait.ge [sflag:s30], $0x80  }
0xb6: {  	[sflag:s30] =	ssyncset.done $0x0  }
0xb7: {  	[sflag:s30] =	ssyncadd.s32 $0xFFFFFF80  }
0xb8: {  	_ =	swait.ge [sflag:s30], $0x80  }
0xb9: {  	[sflag:s30] =	ssyncset.done $0x0  }
0xba: {  	s26 =	ssub.s32 $0x2, s1;
	[sflag:s30] =	ssyncadd.s32 $0xFFFFFF80  }
0xbb: {  	s29 =	sshrl.u32 s26, $0x1;
	_ =	swait.ge [sflag:s30], $0x80  }
0xbc: {  	s0 =	ssub.s32 s26, s29;
	[sflag:s30] =	ssyncset.done $0x0  }
0xbd: {  	s0 =	smax.u32 s0, $0x1;
	s23 =	rddreg [dreg:$0xc];
	[sflag:s30] =	ssyncadd.s32 $0xFFFFFF80  }
0xbe: {  	[hbm4b:s23+s2] =	stream.linear.scatter [tilespmem:s9], [sflag:$0x2], $0x4000, $0x38;
	[tilespmem:$0x9000] =	vst v63  }
0xbf: {  	p0 =	sne.s32 s0, $0x1;
	s24 =	rddreg [dreg:$0xd]  }
0xc0: {  	[hbm4b:s24+s2] =	stream.linear.scatter [tilespmem:s11], [sflag:$0x2], $0x4000, $0x38;
	[tilespmem:$0x9000] =	vst v63  }
.Ltmp0:
0xc1: {  	_ = 	snop;
	(pc) =	sbr.rel @!p0 .LBB2_2-.Ltmp0, $4  }
0xc2: {  	s25 =	rddreg [dreg:$0xe]  }
0xc3: {  	[hbm4b:s25+s2] =	stream.linear.scatter [tilespmem:s14], [sflag:$0x2], $0x200, $0x38;
	[tilespmem:$0x9000] =	vst v63  }
0xc4: {  	s31 =	simm.s32 $0x2;
	s1 =	sadd.s32 $0xFFFFFFFF, s0;
	s28 =	rddreg [dreg:$0xf]  }
0xc5: {  	[hbm4b:s28+s2] =	stream.linear.scatter [tilespmem:s16], [sflag:$0x2], $0x200, $0x38;
	[tilespmem:$0x9000] =	vst v63  }
.LBB2_1:
0xc6: {  	_ =	swait.ge [sflag:s31], $0x4000  }
0xc7: {  	[sflag:s31] =	ssyncset.done $0x0  }
0xc8: {  	[sflag:s31] =	ssyncadd.s32 $0xFFFFC000  }
0xc9: {  	_ =	swait.ge [sflag:s31], $0x4000  }
0xca: {  	[sflag:s31] =	ssyncset.done $0x0  }
0xcb: {  	[sflag:s31] =	ssyncadd.s32 $0xFFFFC000  }
0xcc: {  	_ =	swait.ge [sflag:s31], $0x200  }
0xcd: {  	[sflag:s31] =	ssyncset.done $0x0  }
0xce: {  	[sflag:s31] =	ssyncadd.s32 $0xFFFFFE00  }
0xcf: {  	_ =	swait.ge [sflag:s31], $0x200  }
0xd0: {  	[sflag:s31] =	ssyncset.done $0x0  }
0xd1: {  	s0 =	rddreg [dreg:$0x8];
	[sflag:s31] =	ssyncadd.s32 $0xFFFFFE00  }
0xd2: {  	[tilespmem:s2], [sflag:$0x3] =	stream.linear.gather [hbm4b:s0+s2], $0x400, $0x38;
	[tilespmem:$0x9000] =	vst v63  }
0xd3: {  	_ =	swait.ge [sflag:s3], $0x400  }
0xd4: {  	[sflag:s3] =	ssyncset.done $0x0  }
0xd5: {  	s25 =	rddreg [dreg:$0x9];
	[sflag:s3] =	ssyncadd.s32 $0xFFFFFC00  }
0xd6: {  	[tilespmem:s4], [sflag:$0x3] =	stream.linear.gather [hbm4b:s25+s2], $0x400, $0x38;
	[tilespmem:$0x9000] =	vst v63  }
0xd7: {  	_ =	swait.ge [sflag:s3], $0x400  }
0xd8: {  	[sflag:s3] =	ssyncset.done $0x0  }
0xd9: {  	s26 =	rddreg [dreg:$0xa];
	[sflag:s3] =	ssyncadd.s32 $0xFFFFFC00  }
0xda: {  	[tilespmem:s5], [sflag:$0x3] =	stream.linear.gather [hbm4b:s26+s2], $0x200, $0x38;
	[tilespmem:$0x9000] =	vst v63  }
0xdb: {  	_ =	swait.ge [sflag:s3], $0x200  }
0xdc: {  	[sflag:s3] =	ssyncset.done $0x0  }
0xdd: {  	s28 =	rddreg [dreg:$0xb];
	[sflag:s3] =	ssyncadd.s32 $0xFFFFFE00  }
0xde: {  	[tilespmem:s6], [sflag:$0x3] =	stream.linear.gather [hbm4b:s28+s2], $0x200, $0x38;
	[tilespmem:$0x9000] =	vst v63  }
0xdf: {  	_ =	swait.ge [sflag:s3], $0x200  }
0xe0: {  	s0 =	sld [smem:$0x7F4]  }
0xe1: {  	s12 =	sld [smem:$0x7F5]  }
0xe2: {  	s17 =	sld [smem:$0x7F6]  }
0xe3: {  	s18 =	sld [smem:$0x7F7]  }
0xe4: {  	s19 =	sld [smem:$0x7F8]  }
0xe5: {  	s20 =	rddreg [dreg:$0x1e]  }
0xe6: {  	s21 =	rddreg [dreg:$0x1c]  }
0xe7: {  	s22 =	rddreg [dreg:$0x1a]  }
0xe8: {  	s23 =	rddreg [dreg:$0x18]  }
0xe9: {  	s24 =	rddreg [dreg:$0x10]  }
0xea: {  	[sflag:s3] =	ssyncset.done $0x0;
	s25 =	rddreg [dreg:$0x12]  }
0xeb: {  	s26 =	rddreg [dreg:$0x14];
	[sflag:s3] =	ssyncadd.s32 $0xFFFFFE00  }
0xec: {  	[tilespmem:s9], [sflag:$0x1] =	stream.indirect.gather [hbm4b:s7+s8], $0x10, s2, s8, $0xb8;
	[tilespmem:$0x9000] =	vst v63  }
0xed: {  	s28 =	rddreg [dreg:$0x16]  }
0xee: {  	[tilespmem:s11], [sflag:$0x1] =	stream.indirect.gather [hbm4b:s10+s8], $0x10, s4, s8, $0xb8;
	[tilespmem:$0x9000] =	vst v63  }
0xef: {  	s29 =	rddreg [dreg:$0x11]  }
0xf0: {  	[tilespmem:s24], [sflag:$0x1] =	stream.indirect.gather [hbm4b:s7+s8], $0x10, s8, s8, $0xb8;
	[tilespmem:$0x9000] =	vst v63  }
0xf1: {  	s24 =	rddreg [dreg:$0x13]  }
0xf2: {  	[tilespmem:s25], [sflag:$0x1] =	stream.indirect.gather [hbm4b:s10+s8], $0x10, s29, s8, $0xb8;
	[tilespmem:$0x9000] =	vst v63  }
0xf3: {  	s29 =	rddreg [dreg:$0x15]  }
0xf4: {  	[tilespmem:s26], [sflag:$0x1] =	stream.indirect.gather [hbm4b:s7+s8], $0x10, s24, s8, $0xb8;
	[tilespmem:$0x9000] =	vst v63  }
0xf5: {  	s25 =	rddreg [dreg:$0x1d]  }
0xf6: {  	[tilespmem:s28], [sflag:$0x1] =	stream.indirect.gather [hbm4b:s10+s8], $0x10, s29, s8, $0xb8;
	[tilespmem:$0x9000] =	vst v63  }
0xf7: {  	s26 =	rddreg [dreg:$0x17]  }
0xf8: {  	[tilespmem:s23], [sflag:$0x1] =	stream.indirect.gather [hbm4b:s7+s8], $0x10, s26, s8, $0xb8;
	[tilespmem:$0x9000] =	vst v63  }
0xf9: {  	s29 =	rddreg [dreg:$0x19]  }
0xfa: {  	[tilespmem:s22], [sflag:$0x1] =	stream.indirect.gather [hbm4b:s10+s8], $0x10, s29, s8, $0xb8;
	[tilespmem:$0x9000] =	vst v63  }
0xfb: {  	s24 =	rddreg [dreg:$0x1b]  }
0xfc: {  	[tilespmem:s21], [sflag:$0x1] =	stream.indirect.gather [hbm4b:s7+s8], $0x10, s24, s8, $0xb8;
	[tilespmem:$0x9000] =	vst v63  }
0xfd: {  	s28 =	sld [smem:$0x7F9]  }
0xfe: {  	[tilespmem:s20], [sflag:$0x1] =	stream.indirect.gather [hbm4b:s10+s8], $0x10, s25, s8, $0xb8;
	[tilespmem:$0x9000] =	vst v63  }
0xff: {  	s26 =	rddreg [dreg:$0x1f]  }
0x100: {  	[tilespmem:s19], [sflag:$0x1] =	stream.indirect.gather [hbm4b:s7+s8], $0x10, s26, s8, $0xb8;
	[tilespmem:$0x9000] =	vst v63  }
0x101: {  	s29 =	sld [smem:$0x7FA]  }
0x102: {  	[tilespmem:s18], [sflag:$0x1] =	stream.indirect.gather [hbm4b:s10+s8], $0x10, s28, s8, $0xb8;
	[tilespmem:$0x9000] =	vst v63  }
0x103: {  	s21 =	sld [smem:$0x7FB]  }
0x104: {  	[tilespmem:s17], [sflag:$0x1] =	stream.indirect.gather [hbm4b:s7+s8], $0x10, s29, s8, $0xb8;
	[tilespmem:$0x9000] =	vst v63  }
0x105: {  	s22 =	sld [smem:$0x7FC]  }
0x106: {  	[tilespmem:s12], [sflag:$0x1] =	stream.indirect.gather [hbm4b:s10+s8], $0x10, s21, s8, $0xb8;
	[tilespmem:$0x9000] =	vst v63  }
0x107: {  	s23 =	sld [smem:$0x7FD]  }
0x108: {  	[tilespmem:s0], [sflag:$0x1] =	stream.indirect.gather [hbm4b:s7+s8], $0x10, s22, s8, $0xb8;
	[tilespmem:$0x9000] =	vst v63  }
0x109: {  	s24 =	simm.s32 $0x8600  }
0x10a: {  	[tilespmem:s24], [sflag:$0x1] =	stream.indirect.gather [hbm4b:s10+s8], $0x10, s23, s8, $0xb8;
	[tilespmem:$0x9000] =	vst v63  }
0x10b: {  	_ = 	snop  }
0x10c: {  	[tilespmem:s14], [sflag:$0x1] =	stream.indirect.gather [hbm4b:s13+s8], $0x1, s5, s8, $0xb8;
	[tilespmem:$0x9000] =	vst v63  }
0x10d: {  	_ = 	snop  }
0x10e: {  	[tilespmem:s16], [sflag:$0x1] =	stream.indirect.gather [hbm4b:s15+s8], $0x1, s6, s8, $0xb8;
	[tilespmem:$0x9000] =	vst v63  }
0x10f: {  	s25 =	simm.s32 $0x880;
	s26 =	simm.s32 $0x4C80  }
0x110: {  	[tilespmem:s26], [sflag:$0x1] =	stream.indirect.gather [hbm4b:s13+s8], $0x1, s25, s8, $0xb8;
	[tilespmem:$0x9000] =	vst v63  }
0x111: {  	s28 =	simm.s32 $0xA80;
	s29 =	simm.s32 $0x8E80  }
0x112: {  	[tilespmem:s29], [sflag:$0x1] =	stream.indirect.gather [hbm4b:s15+s8], $0x1, s28, s8, $0xb8;
	[tilespmem:$0x9000] =	vst v63  }
0x113: {  	s18 =	simm.s32 $0x4D00;
	s17 =	simm.s32 $0x900  }
0x114: {  	[tilespmem:s18], [sflag:$0x1] =	stream.indirect.gather [hbm4b:s13+s8], $0x1, s17, s8, $0xb8;
	[tilespmem:$0x9000] =	vst v63  }
0x115: {  	s20 =	simm.s32 $0x8F00;
	s19 =	simm.s32 $0xB00  }
0x116: {  	[tilespmem:s20], [sflag:$0x1] =	stream.indirect.gather [hbm4b:s15+s8], $0x1, s19, s8, $0xb8;
	[tilespmem:$0x9000] =	vst v63  }
0x117: {  	s21 =	simm.s32 $0x980;
	s22 =	simm.s32 $0x4D80  }
0x118: {  	[tilespmem:s22], [sflag:$0x1] =	stream.indirect.gather [hbm4b:s13+s8], $0x1, s21, s8, $0xb8;
	[tilespmem:$0x9000] =	vst v63  }
0x119: {  	s23 =	simm.s32 $0xB80;
	s24 =	simm.s32 $0x8F80  }
0x11a: {  	[tilespmem:s24], [sflag:$0x1] =	stream.indirect.gather [hbm4b:s15+s8], $0x1, s23, s8, $0xb8;
	[tilespmem:$0x9000] =	vst v63  }
0x11b: {  	_ =	swait.ge [sflag:s30], $0x800  }
0x11c: {  	[sflag:s30] =	ssyncset.done $0x0  }
0x11d: {  	[sflag:s30] =	ssyncadd.s32 $0xFFFFF800  }
0x11e: {  	_ =	swait.ge [sflag:s30], $0x800  }
0x11f: {  	[sflag:s30] =	ssyncset.done $0x0  }
0x120: {  	[sflag:s30] =	ssyncadd.s32 $0xFFFFF800  }
0x121: {  	_ =	swait.ge [sflag:s30], $0x800  }
0x122: {  	[sflag:s30] =	ssyncset.done $0x0  }
0x123: {  	[sflag:s30] =	ssyncadd.s32 $0xFFFFF800  }
0x124: {  	_ =	swait.ge [sflag:s30], $0x800  }
0x125: {  	[sflag:s30] =	ssyncset.done $0x0  }
0x126: {  	[sflag:s30] =	ssyncadd.s32 $0xFFFFF800  }
0x127: {  	_ =	swait.ge [sflag:s30], $0x800  }
0x128: {  	[sflag:s30] =	ssyncset.done $0x0  }
0x129: {  	[sflag:s30] =	ssyncadd.s32 $0xFFFFF800  }
0x12a: {  	_ =	swait.ge [sflag:s30], $0x800  }
0x12b: {  	[sflag:s30] =	ssyncset.done $0x0  }
0x12c: {  	[sflag:s30] =	ssyncadd.s32 $0xFFFFF800  }
0x12d: {  	_ =	swait.ge [sflag:s30], $0x800  }
0x12e: {  	[sflag:s30] =	ssyncset.done $0x0  }
0x12f: {  	[sflag:s30] =	ssyncadd.s32 $0xFFFFF800  }
0x130: {  	_ =	swait.ge [sflag:s30], $0x800  }
0x131: {  	[sflag:s30] =	ssyncset.done $0x0  }
0x132: {  	[sflag:s30] =	ssyncadd.s32 $0xFFFFF800  }
0x133: {  	_ =	swait.ge [sflag:s30], $0x800  }
0x134: {  	[sflag:s30] =	ssyncset.done $0x0  }
0x135: {  	[sflag:s30] =	ssyncadd.s32 $0xFFFFF800  }
0x136: {  	_ =	swait.ge [sflag:s30], $0x800  }
0x137: {  	[sflag:s30] =	ssyncset.done $0x0  }
0x138: {  	[sflag:s30] =	ssyncadd.s32 $0xFFFFF800  }
0x139: {  	_ =	swait.ge [sflag:s30], $0x800  }
0x13a: {  	[sflag:s30] =	ssyncset.done $0x0  }
0x13b: {  	[sflag:s30] =	ssyncadd.s32 $0xFFFFF800  }
0x13c: {  	_ =	swait.ge [sflag:s30], $0x800  }
0x13d: {  	[sflag:s30] =	ssyncset.done $0x0  }
0x13e: {  	[sflag:s30] =	ssyncadd.s32 $0xFFFFF800  }
0x13f: {  	_ =	swait.ge [sflag:s30], $0x800  }
0x140: {  	[sflag:s30] =	ssyncset.done $0x0  }
0x141: {  	[sflag:s30] =	ssyncadd.s32 $0xFFFFF800  }
0x142: {  	_ =	swait.ge [sflag:s30], $0x800  }
0x143: {  	[sflag:s30] =	ssyncset.done $0x0  }
0x144: {  	[sflag:s30] =	ssyncadd.s32 $0xFFFFF800  }
0x145: {  	_ =	swait.ge [sflag:s30], $0x800  }
0x146: {  	[sflag:s30] =	ssyncset.done $0x0  }
0x147: {  	[sflag:s30] =	ssyncadd.s32 $0xFFFFF800  }
0x148: {  	_ =	swait.ge [sflag:s30], $0x800  }
0x149: {  	[sflag:s30] =	ssyncset.done $0x0  }
0x14a: {  	[sflag:s30] =	ssyncadd.s32 $0xFFFFF800  }
0x14b: {  	_ =	swait.ge [sflag:s30], $0x80  }
0x14c: {  	[sflag:s30] =	ssyncset.done $0x0  }
0x14d: {  	[sflag:s30] =	ssyncadd.s32 $0xFFFFFF80  }
0x14e: {  	_ =	swait.ge [sflag:s30], $0x80  }
0x14f: {  	[sflag:s30] =	ssyncset.done $0x0  }
0x150: {  	[sflag:s30] =	ssyncadd.s32 $0xFFFFFF80  }
0x151: {  	_ =	swait.ge [sflag:s30], $0x80  }
0x152: {  	[sflag:s30] =	ssyncset.done $0x0  }
0x153: {  	[sflag:s30] =	ssyncadd.s32 $0xFFFFFF80  }
0x154: {  	_ =	swait.ge [sflag:s30], $0x80  }
0x155: {  	[sflag:s30] =	ssyncset.done $0x0  }
0x156: {  	[sflag:s30] =	ssyncadd.s32 $0xFFFFFF80  }
0x157: {  	_ =	swait.ge [sflag:s30], $0x80  }
0x158: {  	[sflag:s30] =	ssyncset.done $0x0  }
0x159: {  	[sflag:s30] =	ssyncadd.s32 $0xFFFFFF80  }
0x15a: {  	_ =	swait.ge [sflag:s30], $0x80  }
0x15b: {  	[sflag:s30] =	ssyncset.done $0x0  }
0x15c: {  	[sflag:s30] =	ssyncadd.s32 $0xFFFFFF80  }
0x15d: {  	_ =	swait.ge [sflag:s30], $0x80  }
0x15e: {  	[sflag:s30] =	ssyncset.done $0x0  }
0x15f: {  	[sflag:s30] =	ssyncadd.s32 $0xFFFFFF80  }
0x160: {  	_ =	swait.ge [sflag:s30], $0x80  }
0x161: {  	[sflag:s30] =	ssyncset.done $0x0  }
0x162: {  	s25 =	rddreg [dreg:$0xc];
	[sflag:s30] =	ssyncadd.s32 $0xFFFFFF80  }
0x163: {  	[hbm4b:s25+s2] =	stream.linear.scatter [tilespmem:s9], [sflag:$0x2], $0x4000, $0x38;
	[tilespmem:$0x9000] =	vst v63  }
0x164: {  	p0 =	sne.s32 s1, $0x1;
	s26 =	rddreg [dreg:$0xd]  }
0x165: {  	[hbm4b:s26+s2] =	stream.linear.scatter [tilespmem:s11], [sflag:$0x2], $0x4000, $0x38;
	[tilespmem:$0x9000] =	vst v63  }
.Ltmp1:
0x166: {  	_ = 	snop;
	(pc) =	sbr.rel @p0 .LBB2_1-.Ltmp1, $4  }
0x167: {  	s28 =	rddreg [dreg:$0xe]  }
0x168: {  	[hbm4b:s28+s2] =	stream.linear.scatter [tilespmem:s14], [sflag:$0x2], $0x200, $0x38;
	[tilespmem:$0x9000] =	vst v63  }
0x169: {  	s1 =	sadd.s32 $0xFFFFFFFF, s1;
	s29 =	rddreg [dreg:$0xf]  }
0x16a: {  	[hbm4b:s29+s2] =	stream.linear.scatter [tilespmem:s16], [sflag:$0x2], $0x200, $0x38;
	[tilespmem:$0x9000] =	vst v63  }
.LBB2_2:
0x16b: {  	_ =	swait.ge [sflag:s31], $0x4000  }
0x16c: {  	[sflag:s31] =	ssyncset.done $0x0  }
0x16d: {  	[sflag:s31] =	ssyncadd.s32 $0xFFFFC000  }
0x16e: {  	_ =	swait.ge [sflag:s31], $0x4000  }
0x16f: {  	[sflag:s31] =	ssyncset.done $0x0  }
0x170: {  	[sflag:s31] =	ssyncadd.s32 $0xFFFFC000  }
0x171: {  	_ =	swait.ge [sflag:s31], $0x200  }
0x172: {  	[sflag:s31] =	ssyncset.done $0x0  }
0x173: {  	[sflag:s31] =	ssyncadd.s32 $0xFFFFFE00  }
0x174: {  	_ =	swait.ge [sflag:s31], $0x200  }
0x175: {  	[sflag:s31] =	ssyncset.done $0x0  }
0x176: {  	[sflag:s31] =	ssyncadd.s32 $0xFFFFFE00  }
0x177: {  	_ =	sfence.sel $0x180000  }
0x178: {  	[bflag:$0x0] =	sbarrier.arrive $0xFFFF  }
0x179: {  	_ =	strace $0x90000047  }
0x17a: {  	s0 =	stileid.u32;
	[bflag:$0x2] =	sbarrier.arrive $0xFFFF  }
0x17b: {  	p0 =	sne.s32 s0, $0x0;
	s0 =	rddreg [dreg:$0x7]  }
0x17c: {  	s0 =	sadd.s32 @!p0 $0x100000, s0  }
0x17d: {  	[sflag:s0] =	ssyncadd.tile.s32 @!p0 $0x1;
	_ =	shalt  }
.Lfunc_end2:
_tile_overlayer_lowered:
.L_overlay_start_2:
0x17e: {  	(tag) =	ssettag $0x2  }
0x17f: {  	s0 =	rddreg [dreg:$0x0];
	s2 =	stileid.u32  }
0x180: {  	s1 =	rddreg [dreg:$0x1];
	p0 =	sne.s32 s2, $0x0  }
0x181: {  	s3 =	rddreg [dreg:$0x2];
	[bflag:$0x3] =	sbarrier.arrive $0xFFFF;
	s2 =	simm.s32 @!p0 $0x1C03  }
0x182: {  	[timem:s3], [sflag:s2] =	dma.local @!p0 [hbm:s0], s1  }
0x183: {  	s0 =	simm.s32 @!p0 $0x3  }
0x184: {  	_ =	swait.ge @!p0 [sflag:s0], s1  }
0x185: {  	s1 =	ssub.s32 @!p0 $0x0, s1;
	[sflag:s0] =	ssyncset.done @!p0 $0x0  }
0x186: {  	[sflag:s0] =	ssyncadd.s32 @!p0 s1  }
0x187: {  	[bflag:$0x3] =	sbarrier.arrive $0xFFFF  }
0x188: {  	_ =	shalt  }

</sc_bundles>
